<compile_context>
chip_gen: v7x
topology: tpu7x:2x2x1
jax: 0.10.2.dev20260603
libtpu: 0.0.44.dev20260713+nightly
codegen_flags: <defaults>
</compile_context>

<pallas_src>
import functools

import jax
import jax.numpy as jnp
from jax import lax
from jax.experimental import pallas as pl
from jax.experimental.pallas import tpu as pltpu
from jax.experimental.pallas import tpu_sc as plsc

NUM_CLASSES = 100000
EMB = 64
N = 16384
T = 1024

RB = 4096
NSTEP = N // RB
NC = 2
NS = 16
NW = NC * NS
CHC = 384
NALIGN = (NUM_CLASSES // 128) * 128
NFULL = NALIGN // CHC
MIDC = NALIGN - NFULL * CHC
TAILC = NUM_CLASSES - NALIGN
NCHUNK = NFULL + 1
KMAX = -(-NCHUNK // NW)


def _stats_body(tr_ref, tgt_ref, xT_ref, ctail_ref,
                meansT_ref, tidx_ref, tail_ref, acc_ref):
    i = pl.program_id(0)

    @pl.when(i == 0)
    def _init():
        acc_ref[...] = jnp.zeros_like(acc_ref)

    tr = tr_ref[0, 0, :]
    tgt = tgt_ref[0, :]
    oh = (tr[:, None] == tgt[None, :]).astype(jnp.bfloat16)
    xT = xT_ref[...].astype(jnp.bfloat16)
    xa = jnp.concatenate(
        [xT, jnp.ones((8, RB), dtype=jnp.bfloat16)], axis=0)
    acc_ref[...] += lax.dot_general(
        xa, oh, (((1,), (0,)), ((), ())), preferred_element_type=jnp.float32)

    @pl.when(i == NSTEP - 1)
    def _fin():
        c = acc_ref[EMB:EMB + 1, :]
        meansT_ref[...] = acc_ref[0:EMB, :] / jnp.maximum(c, 1.0)
        tidx_ref[...] = jnp.where(c > 0.0, tgt_ref[...], -1)
        tcls = NALIGN + lax.broadcasted_iota(jnp.int32, (TAILC, 1), 0)
        m = (tcls == tgt[None, :]).astype(jnp.float32)
        msum = lax.dot_general(
            meansT_ref[...], m, (((1,), (1,)), ((), ())),
            preferred_element_type=jnp.float32)
        dup = lax.dot_general(
            jnp.ones((1, T), dtype=jnp.float32), m, (((1,), (1,)), ((), ())),
            preferred_element_type=jnp.float32)
        csum = lax.dot_general(
            c, m, (((1,), (1,)), ((), ())),
            preferred_element_type=jnp.float32)
        upd = (dup > 0.0) & (csum > 0.0)
        tail_ref[...] = jnp.where(
            upd, msum / jnp.maximum(dup, 1.0), ctail_ref[...])


def _stats(xT, target_row, target, ctailT):
    tr3 = target_row.reshape(NSTEP, 1, RB)
    tgt2 = target.reshape(1, T)
    ones_spec = pl.BlockSpec((EMB, TAILC), lambda i: (0, 0))
    meansT, tidx, tail = pl.pallas_call(
        _stats_body,
        grid=(NSTEP,),
        in_specs=[
            pl.BlockSpec((1, 1, RB), lambda i: (i, 0, 0)),
            pl.BlockSpec((1, T), lambda i: (0, 0)),
            pl.BlockSpec((EMB, RB), lambda i: (0, i)),
            ones_spec,
        ],
        out_specs=[
            pl.BlockSpec((EMB, T), lambda i: (0, 0)),
            pl.BlockSpec((1, T), lambda i: (0, 0)),
            ones_spec,
        ],
        out_shape=[
            jax.ShapeDtypeStruct((EMB, T), jnp.float32),
            jax.ShapeDtypeStruct((1, T), jnp.int32),
            jax.ShapeDtypeStruct((EMB, TAILC), jnp.float32),
        ],
        scratch_shapes=[pltpu.VMEM((EMB + 8, T), jnp.float32)],
    )(tr3, tgt2, xT, ctailT)
    return meansT, tidx, tail


def _patch_cols(buf, mT, tid, cbase, ncols):
    def group_body(g, carry):
        tvec = tid[0, pl.ds(g * 16, 16)]
        local = tvec - cbase
        mask = (local >= 0) & (local < ncols)

        @pl.when(jnp.any(mask))
        def _patch():
            safe = jnp.where(mask, local, 0)

            def row_body(r, carry3):
                val = mT[r, pl.ds(g * 16, 16)]
                row = jnp.full((16,), r, dtype=jnp.int32)
                plsc.store_scatter(buf, [row, safe], val, mask=mask)
                return carry3

            lax.fori_loop(0, EMB, row_body, 0, unroll=False)
        return carry

    lax.fori_loop(0, T // 16, group_body, 0, unroll=False)


def _sc_body(centerT_hbm, meansT_hbm, tidx_hbm, outT_hbm,
             buf0, buf1, mT, mTs, tid, flg, sr0, sr1, sw0, sw1):
    sid = lax.axis_index("s")
    wid = sid * NC + lax.axis_index("c")
    bufs = (buf0, buf1)
    srs = (sr0, sr1)
    sws = (sw0, sw1)

    def read_desc(ci, buf, sem):
        full = pltpu.make_async_copy(
            centerT_hbm.at[:, pl.ds(ci * CHC, CHC)], buf, sem)
        mid = pltpu.make_async_copy(
            centerT_hbm.at[:, pl.ds(NFULL * CHC, MIDC)],
            buf.at[:, pl.ds(0, MIDC)], sem)
        return full, mid

    def write_desc(ci, buf, sem):
        full = pltpu.make_async_copy(
            buf, outT_hbm.at[:, pl.ds(ci * CHC, CHC)], sem)
        mid = pltpu.make_async_copy(
            buf.at[:, pl.ds(0, MIDC)],
            outT_hbm.at[:, pl.ds(NFULL * CHC, MIDC)], sem)
        return full, mid

    def start_read(k, b):
        ci = wid + k * NW
        full, mid = read_desc(ci, bufs[b], srs[b])
        pl.when(ci < NFULL)(full.start)
        pl.when(ci == NFULL)(mid.start)

    def wait_read(k, b):
        ci = wid + k * NW
        full, mid = read_desc(ci, bufs[b], srs[b])
        pl.when(ci < NFULL)(full.wait)
        pl.when(ci == NFULL)(mid.wait)

    def start_write(k, b):
        ci = wid + k * NW
        full, mid = write_desc(ci, bufs[b], sws[b])
        pl.when(ci < NFULL)(full.start)
        pl.when(ci == NFULL)(mid.start)

    def wait_write(k, b):
        ci = wid + k * NW
        full, mid = write_desc(ci, bufs[b], sws[b])
        pl.when((ci >= 0) & (ci < NFULL))(full.wait)
        pl.when(ci == NFULL)(mid.wait)

    def patch(k, b, flags_v):
        ci = wid + k * NW
        cbase = ci * CHC
        lane = lax.iota(jnp.int32, 16)
        hit = jnp.max(jnp.where(lane == k, flags_v, 0)) > 0

        @pl.when(hit & (ci < NFULL))
        def _pf():
            _patch_cols(bufs[b], mT, tid, cbase, CHC)

        @pl.when(hit & (ci == NFULL))
        def _pm():
            _patch_cols(bufs[b], mT, tid, NFULL * CHC, MIDC)

    start_read(0, 0)

    @pl.when(sid < 8)
    def _stage():
        pltpu.sync_copy(meansT_hbm.at[pl.ds(sid * 8, 8)],
                        mTs.at[pl.ds(sid * 8, 8)])
    pltpu.sync_copy(tidx_hbm, tid)

    flg[pl.ds(0, 16)] = jnp.zeros((16,), jnp.int32)
    one16 = jnp.ones((16,), jnp.int32)

    def flag_body(g, carry):
        tvec = tid[0, pl.ds(g * 16, 16)]
        tsafe = jnp.where(tvec < 0, 1 << 20, tvec)
        civ = ((tsafe >> 7) * 43691) >> 17
        mine = ((civ & (NW - 1)) == wid) & (civ < NCHUNK)
        rk = jnp.where(mine, civ >> 5, 0)
        plsc.addupdate_scatter(flg, [rk], one16, mask=mine)
        return carry

    lax.fori_loop(0, T // 16, flag_body, 0, unroll=False)
    flags_v = flg[pl.ds(0, 16)]

    plsc.subcore_barrier()
    pltpu.sync_copy(mTs, mT)

    def pair_body(k2, carry):
        for b in (0, 1):
            k = k2 * 2 + b
            wait_read(k, b)
            wait_write(k - 1, 1 - b)
            start_read(k + 1, 1 - b)
            patch(k, b, flags_v)
            start_write(k, b)
        return carry

    lax.fori_loop(0, (KMAX + 2) // 2, pair_body, 0, unroll=False)


@functools.cache
def _sc_scatter():
    return pl.kernel(
        _sc_body,
        out_type=jax.ShapeDtypeStruct((EMB, NUM_CLASSES), jnp.float32),
        mesh=plsc.VectorSubcoreMesh(core_axis_name="c", subcore_axis_name="s"),
        scratch_types=[
            pltpu.VMEM((EMB, CHC), jnp.float32),
            pltpu.VMEM((EMB, CHC), jnp.float32),
            pltpu.VMEM((EMB, T), jnp.float32),
            pltpu.VMEM_SHARED((EMB, T), jnp.float32),
            pltpu.VMEM((1, T), jnp.int32),
            pltpu.VMEM((16,), jnp.int32),
            pltpu.SemaphoreType.DMA,
            pltpu.SemaphoreType.DMA,
            pltpu.SemaphoreType.DMA,
            pltpu.SemaphoreType.DMA,
        ],
        compiler_params=pltpu.CompilerParams(needs_layout_passes=False),
    )


def kernel(inputs_row, target_row, target, center):
    centerT = center.T
    meansT, tidx, tail = _stats(
        inputs_row.T, target_row, target, centerT[:, NALIGN:])
    outT = _sc_scatter()(centerT, meansT, tidx)
    outT = lax.dynamic_update_slice(outT, tail, (0, NALIGN))
    return outT.T

# --- scband reference (transcript-rebuilt; emitter-appended) ---
"""Pipeline reference for scband-prism-1743756722487 (READ-ONLY COPY).

The authoritative reference and input builder live on the scoring server;
editing this copy changes nothing except your own understanding.
"""

import jax, jax.numpy as jnp
import numpy as np

NUM_CLASSES = 100000
EMB = 64
N = 16384
T = 1024


def setup_inputs(seed: int = 0) -> dict:
    key = jax.random.key(seed)
    k1, k2, k3 = jax.random.split(key, 3)
    inputs_row = jax.random.normal(k1, (N, EMB), dtype=jnp.float32)
    target_row = jax.random.randint(k2, (N,), 0, NUM_CLASSES, dtype=jnp.int32)
    target = jax.random.randint(k3, (T,), 0, NUM_CLASSES, dtype=jnp.int32)
    # persistent memory buffer (the module's self.center state)
    center = jnp.zeros((NUM_CLASSES, EMB), dtype=jnp.float32) + 1e-08
    return {"inputs_row": inputs_row, "target_row": target_row, "target": target, "center": center}


def reference(inputs_row, target_row, target, center):
    # Faithful translation of PRISM.update_center:
    # for each i in unique(target): if any(target_row == i): center[i] = mean(inputs_row[target_row == i])
    # Implemented with segment reductions over the class axis (scatter-add semantics).
    num_classes = center.shape[0]
    sums = jax.ops.segment_sum(inputs_row, target_row, num_segments=num_classes)
    counts = jax.ops.segment_sum(jnp.ones((inputs_row.shape[0],), dtype=inputs_row.dtype), target_row, num_segments=num_classes)
    means = sums / jnp.maximum(counts, 1.0)[:, None]
    # only classes present in `target` (uniqueness is irrelevant: same write per class) AND with >=1 row
    in_target = jnp.zeros((num_classes,), dtype=bool).at[target].set(True)
    upd = in_target & (counts > 0)
    new_center = jnp.where(upd[:, None], means, center)
    return new_center

if __name__ == "__main__":
    import jax
    _d = setup_inputs()
    print(jax.jit(kernel)(*tuple(_d.values())))

</pallas_src>

<mosaic_0001>
#map = affine_map<(d0, d1) -> (0, 0)>
module attributes {stable_mosaic.version = 14 : i64} {
  func.func @_sc_body(%arg0: i32, %arg1: i32, %arg2: memref<64x100000xf32, #tpu.memory_space<hbm>>, %arg3: memref<64x1024xf32, #tpu.memory_space<hbm>>, %arg4: memref<1x1024xi32, #tpu.memory_space<hbm>>, %arg5: memref<64x100000xf32, #tpu.memory_space<hbm>>, %arg6: memref<64x384xf32, #tpu.memory_space<vmem>>, %arg7: memref<64x384xf32, #tpu.memory_space<vmem>>, %arg8: memref<64x1024xf32, #tpu.memory_space<vmem>>, %arg9: memref<64x1024xf32, #tpu.memory_space<vmem_shared>>, %arg10: memref<1x1024xi32, #tpu.memory_space<vmem>>, %arg11: memref<16xi32, #tpu.memory_space<vmem>>, %arg12: memref<!tpu.dma_semaphore, #tpu.memory_space<semaphore_mem>>, %arg13: memref<!tpu.dma_semaphore, #tpu.memory_space<semaphore_mem>>, %arg14: memref<!tpu.dma_semaphore, #tpu.memory_space<semaphore_mem>>, %arg15: memref<!tpu.dma_semaphore, #tpu.memory_space<semaphore_mem>>) attributes {dimension_semantics = [#tpu.dimension_semantics<core_parallel>, #tpu.dimension_semantics<subcore_parallel>], iteration_bounds = array<i64: 2, 16>, scalar_prefetch = 0 : i64, scratch_operands = 10 : i64, tpu.core_type = #tpu.core_type<sc_vector_subcore>, window_params = [{transform_indices = #map}, {transform_indices = #map}, {transform_indices = #map}, {transform_indices = #map}]} {
    %mul3A = arith.constant 2 : i32
    %mul3A_0 = arith.muli %arg1, %mul3A : i32
    %add3A = arith.addi %mul3A_0, %arg0 : i32
    %add3A_1 = arith.constant 0 : i32
    %add3A_2 = arith.addi %add3A, %add3A_1 : i32
    %mul3A_3 = arith.constant 384 : i32
    %mul3A_4 = arith.muli %add3A_2, %mul3A_3 : i32
    %lt3A = arith.constant 260 : i32
    %lt3A_5 = arith.cmpi slt, %add3A_2, %lt3A : i32
    %convert_element_type3A = arith.extui %lt3A_5 : i1 to i32
    %cond3A = arith.constant 0 : i32
    %cond3A_6 = arith.cmpi ne, %convert_element_type3A, %cond3A : i32
    scf.if %cond3A_6 {
      %dma_start3A = arith.constant 0 : i32
      %dma_start3A_32 = tpu.memref_slice %arg2[%dma_start3A, %mul3A_4] : memref<64x100000xf32, #tpu.memory_space<hbm>> -> memref<64x384xf32, #tpu.memory_space<hbm>>
      %dma_start3A_33 = arith.constant 0 : i32
      %dma_start3A_34 = tpu.memref_slice %arg2[%dma_start3A_33, %mul3A_4] : memref<64x100000xf32, #tpu.memory_space<hbm>> -> memref<64x384xf32, #tpu.memory_space<hbm>>
      tpu.enqueue_dma source(%dma_start3A_34 : memref<64x384xf32, #tpu.memory_space<hbm>>) target(%arg6 : memref<64x384xf32, #tpu.memory_space<vmem>>) target_semaphore(%arg12 : memref<!tpu.dma_semaphore, #tpu.memory_space<semaphore_mem>>)
    } else {
    }
    %eq3A = arith.constant 260 : i32
    %eq3A_7 = arith.cmpi eq, %add3A_2, %eq3A : i32
    %convert_element_type3A_8 = arith.extui %eq3A_7 : i1 to i32
    %cond3A_9 = arith.constant 0 : i32
    %cond3A_10 = arith.cmpi ne, %convert_element_type3A_8, %cond3A_9 : i32
    scf.if %cond3A_10 {
      %dma_start3A = arith.constant 0 : i32
      %dma_start3A_32 = arith.constant 0 : i32
      %dma_start3A_33 = tpu.memref_slice %arg6[%dma_start3A, %dma_start3A_32] : memref<64x384xf32, #tpu.memory_space<vmem>> -> memref<64x128xf32, #tpu.memory_space<vmem>>
      %dma_start3A_34 = arith.constant 0 : i32
      %dma_start3A_35 = arith.constant 99840 : i32
      %dma_start3A_36 = tpu.memref_slice %arg2[%dma_start3A_34, %dma_start3A_35] : memref<64x100000xf32, #tpu.memory_space<hbm>> -> memref<64x128xf32, #tpu.memory_space<hbm>>
      %dma_start3A_37 = arith.constant 0 : i32
      %dma_start3A_38 = arith.constant 0 : i32
      %dma_start3A_39 = tpu.memref_slice %arg6[%dma_start3A_37, %dma_start3A_38] : memref<64x384xf32, #tpu.memory_space<vmem>> -> memref<64x128xf32, #tpu.memory_space<vmem>>
      %dma_start3A_40 = arith.constant 0 : i32
      %dma_start3A_41 = arith.constant 99840 : i32
      %dma_start3A_42 = tpu.memref_slice %arg2[%dma_start3A_40, %dma_start3A_41] : memref<64x100000xf32, #tpu.memory_space<hbm>> -> memref<64x128xf32, #tpu.memory_space<hbm>>
      tpu.enqueue_dma source(%dma_start3A_42 : memref<64x128xf32, #tpu.memory_space<hbm>>) target(%dma_start3A_39 : memref<64x128xf32, #tpu.memory_space<vmem>>) target_semaphore(%arg12 : memref<!tpu.dma_semaphore, #tpu.memory_space<semaphore_mem>>)
    } else {
    }
    %lt3A_11 = arith.constant 8 : i32
    %lt3A_12 = arith.cmpi slt, %arg1, %lt3A_11 : i32
    %convert_element_type3A_13 = arith.extui %lt3A_12 : i1 to i32
    %cond3A_14 = arith.constant 0 : i32
    %cond3A_15 = arith.cmpi ne, %convert_element_type3A_13, %cond3A_14 : i32
    scf.if %cond3A_15 {
      %mul3A_32 = arith.constant 8 : i32
      %mul3A_33 = arith.muli %arg1, %mul3A_32 : i32
      %mul3A_34 = arith.constant 8 : i32
      %mul3A_35 = arith.muli %arg1, %mul3A_34 : i32
      "tpu.region"() ({
        %run_scoped3A = tpu.sem_alloc : memref<!tpu.dma_semaphore, #tpu.memory_space<semaphore_mem>>
        %dma_start3A = arith.constant 0 : i32
        %dma_start3A_36 = tpu.memref_slice %arg9[%mul3A_35, %dma_start3A] : memref<64x1024xf32, #tpu.memory_space<vmem_shared>> -> memref<8x1024xf32, #tpu.memory_space<vmem_shared>>
        %dma_start3A_37 = arith.constant 0 : i32
        %dma_start3A_38 = tpu.memref_slice %arg3[%mul3A_33, %dma_start3A_37] : memref<64x1024xf32, #tpu.memory_space<hbm>> -> memref<8x1024xf32, #tpu.memory_space<hbm>>
        tpu.enqueue_dma source(%dma_start3A_38 : memref<8x1024xf32, #tpu.memory_space<hbm>>) target(%dma_start3A_36 : memref<8x1024xf32, #tpu.memory_space<vmem_shared>>) target_semaphore(%run_scoped3A : memref<!tpu.dma_semaphore, #tpu.memory_space<semaphore_mem>>)
        %dma_wait3A = arith.constant 0 : i32
        %dma_wait3A_39 = tpu.memref_slice %arg9[%mul3A_35, %dma_wait3A] : memref<64x1024xf32, #tpu.memory_space<vmem_shared>> -> memref<8x1024xf32, #tpu.memory_space<vmem_shared>>
        %dma_wait3A_40 = arith.constant 0 : i32
        %dma_wait3A_41 = tpu.memref_slice %arg3[%mul3A_33, %dma_wait3A_40] : memref<64x1024xf32, #tpu.memory_space<hbm>> -> memref<8x1024xf32, #tpu.memory_space<hbm>>
        tpu.wait_dma2 semaphore(%run_scoped3A : memref<!tpu.dma_semaphore, #tpu.memory_space<semaphore_mem>>) src(%dma_wait3A_41 : memref<8x1024xf32, #tpu.memory_space<hbm>>) dst(%dma_wait3A_39 : memref<8x1024xf32, #tpu.memory_space<vmem_shared>>)
        tpu.yield
      }) : () -> ()
    } else {
    }
    "tpu.region"() ({
      %run_scoped3A = tpu.sem_alloc : memref<!tpu.dma_semaphore, #tpu.memory_space<semaphore_mem>>
      tpu.enqueue_dma source(%arg4 : memref<1x1024xi32, #tpu.memory_space<hbm>>) target(%arg10 : memref<1x1024xi32, #tpu.memory_space<vmem>>) target_semaphore(%run_scoped3A : memref<!tpu.dma_semaphore, #tpu.memory_space<semaphore_mem>>)
      tpu.wait_dma2 semaphore(%run_scoped3A : memref<!tpu.dma_semaphore, #tpu.memory_space<semaphore_mem>>) src(%arg4 : memref<1x1024xi32, #tpu.memory_space<hbm>>) dst(%arg10 : memref<1x1024xi32, #tpu.memory_space<vmem>>)
      tpu.yield
    }) : () -> ()
    %broadcast_in_dim3A = arith.constant 0 : i32
    %broadcast_in_dim3A_16 = vector.broadcast %broadcast_in_dim3A : i32 to vector<16xi32>
    %swap3A = arith.constant 0 : index
    %swap3A_17 = tpu.vector_load %arg11[%swap3A] {strides = array<i32>} : memref<16xi32, #tpu.memory_space<vmem>>, vector<16xi32>,
    tpu.vector_store %arg11[%swap3A], %broadcast_in_dim3A_16 {strides = array<i32>} : memref<16xi32, #tpu.memory_space<vmem>>, vector<16xi32>,
    %broadcast_in_dim3A_18 = arith.constant 1 : i32
    %broadcast_in_dim3A_19 = vector.broadcast %broadcast_in_dim3A_18 : i32 to vector<16xi32>
    %scan3A = arith.constant 0 : i32
    %scan3A_20 = arith.constant 0 : i32
    %scan3A_21 = arith.constant 64 : i32
    %scan3A_22 = arith.addi %scan3A_20, %scan3A_21 : i32
    %scan3A_23 = arith.constant 1 : i32
    scf.for %scan3A_32 = %scan3A_20 to %scan3A_22 step %scan3A_23  : i32 {
      %mul3A_33 = arith.constant 16 : i32
      %mul3A_34 = arith.muli %scan3A_32, %mul3A_33 : i32
      %get3A_35 = arith.constant 0 : i32
      %get3A_36 = arith.index_cast %get3A_35 : i32 to index
      %get3A_37 = arith.index_cast %mul3A_34 : i32 to index
      %get3A_38 = tpu.vector_load %arg10[%get3A_36, %get3A_37] {strides = array<i32>} : memref<1x1024xi32, #tpu.memory_space<vmem>>, vector<16xi32>,
      %lt3A_39 = arith.constant 0 : i32
      %lt3A_40 = vector.broadcast %lt3A_39 : i32 to vector<16xi32>
      %lt3A_41 = arith.cmpi slt, %get3A_38, %lt3A_40 : vector<16xi32>
      %jit3A = arith.constant 1048576 : i32
      %broadcast_in_dim3A_42 = vector.broadcast %jit3A : i32 to vector<16xi32>
      %select_n3A = arith.select %lt3A_41, %broadcast_in_dim3A_42, %get3A_38 : vector<16xi1>, vector<16xi32>
      %shift_right_arithmetic3A = arith.constant 7 : i32
      %shift_right_arithmetic3A_43 = vector.broadcast %shift_right_arithmetic3A : i32 to vector<16xi32>
      %shift_right_arithmetic3A_44 = arith.shrsi %select_n3A, %shift_right_arithmetic3A_43 : vector<16xi32>
      %mul3A_45 = arith.constant 43691 : i32
      %mul3A_46 = vector.broadcast %mul3A_45 : i32 to vector<16xi32>
      %mul3A_47 = arith.muli %shift_right_arithmetic3A_44, %mul3A_46 : vector<16xi32>
      %shift_right_arithmetic3A_48 = arith.constant 17 : i32
      %shift_right_arithmetic3A_49 = vector.broadcast %shift_right_arithmetic3A_48 : i32 to vector<16xi32>
      %shift_right_arithmetic3A_50 = arith.shrsi %mul3A_47, %shift_right_arithmetic3A_49 : vector<16xi32>
      %and3A = arith.constant 31 : i32
      %and3A_51 = vector.broadcast %and3A : i32 to vector<16xi32>
      %and3A_52 = arith.andi %shift_right_arithmetic3A_50, %and3A_51 : vector<16xi32>
      %eq3A_53 = vector.broadcast %add3A : i32 to vector<16xi32>
      %eq3A_54 = arith.cmpi eq, %and3A_52, %eq3A_53 : vector<16xi32>
      %lt3A_55 = arith.constant 261 : i32
      %lt3A_56 = vector.broadcast %lt3A_55 : i32 to vector<16xi32>
      %lt3A_57 = arith.cmpi slt, %shift_right_arithmetic3A_50, %lt3A_56 : vector<16xi32>
      %and3A_58 = arith.andi %eq3A_54, %lt3A_57 : vector<16xi1>
      %shift_right_arithmetic3A_59 = arith.constant 5 : i32
      %shift_right_arithmetic3A_60 = vector.broadcast %shift_right_arithmetic3A_59 : i32 to vector<16xi32>
      %shift_right_arithmetic3A_61 = arith.shrsi %shift_right_arithmetic3A_50, %shift_right_arithmetic3A_60 : vector<16xi32>
      %jit3A_62 = arith.constant 0 : i32
      %broadcast_in_dim3A_63 = vector.broadcast %jit3A_62 : i32 to vector<16xi32>
      %select_n3A_64 = arith.select %and3A_58, %shift_right_arithmetic3A_61, %broadcast_in_dim3A_63 : vector<16xi1>, vector<16xi32>
      tpu.vector_store_idx %arg11[%select_n3A_64], %broadcast_in_dim3A_19 masked %and3A_58 {add = true} : memref<16xi32, #tpu.memory_space<vmem>>[vector<16xi32>], vector<16xi32>, vector<16xi1>
    }
    %scan3A_24 = arith.constant 64 : i32
    %get3A = arith.constant 0 : index
    %get3A_25 = tpu.vector_load %arg11[%get3A] {strides = array<i32>} : memref<16xi32, #tpu.memory_space<vmem>>, vector<16xi32>,
    %barrier3A = arith.constant 0 : index
    tpu.barrier barrier_id(%barrier3A)
    "tpu.region"() ({
      %run_scoped3A = tpu.sem_alloc : memref<!tpu.dma_semaphore, #tpu.memory_space<semaphore_mem>>
      tpu.enqueue_dma source(%arg9 : memref<64x1024xf32, #tpu.memory_space<vmem_shared>>) target(%arg8 : memref<64x1024xf32, #tpu.memory_space<vmem>>) target_semaphore(%run_scoped3A : memref<!tpu.dma_semaphore, #tpu.memory_space<semaphore_mem>>)
      tpu.wait_dma2 semaphore(%run_scoped3A : memref<!tpu.dma_semaphore, #tpu.memory_space<semaphore_mem>>) src(%arg9 : memref<64x1024xf32, #tpu.memory_space<vmem_shared>>) dst(%arg8 : memref<64x1024xf32, #tpu.memory_space<vmem>>)
      tpu.yield
    }) : () -> ()
    %scan3A_26 = arith.constant 0 : i32
    %scan3A_27 = arith.constant 0 : i32
    %scan3A_28 = arith.constant 5 : i32
    %scan3A_29 = arith.addi %scan3A_27, %scan3A_28 : i32
    %scan3A_30 = arith.constant 1 : i32
    scf.for %scan3A_32 = %scan3A_27 to %scan3A_29 step %scan3A_30  : i32 {
      %mul3A_33 = arith.constant 2 : i32
      %mul3A_34 = arith.muli %scan3A_32, %mul3A_33 : i32
      %add3A_35 = arith.constant 0 : i32
      %add3A_36 = arith.addi %mul3A_34, %add3A_35 : i32
      %mul3A_37 = arith.constant 32 : i32
      %mul3A_38 = arith.muli %add3A_36, %mul3A_37 : i32
      %add3A_39 = arith.addi %add3A, %mul3A_38 : i32
      %mul3A_40 = arith.constant 384 : i32
      %mul3A_41 = arith.muli %add3A_39, %mul3A_40 : i32
      %lt3A_42 = arith.constant 260 : i32
      %lt3A_43 = arith.cmpi slt, %add3A_39, %lt3A_42 : i32
      %convert_element_type3A_44 = arith.extui %lt3A_43 : i1 to i32
      %cond3A_45 = arith.constant 0 : i32
      %cond3A_46 = arith.cmpi ne, %convert_element_type3A_44, %cond3A_45 : i32
      scf.if %cond3A_46 {
        %dma_wait3A = arith.constant 0 : i32
        %dma_wait3A_233 = tpu.memref_slice %arg2[%dma_wait3A, %mul3A_41] : memref<64x100000xf32, #tpu.memory_space<hbm>> -> memref<64x384xf32, #tpu.memory_space<hbm>>
        %dma_wait3A_234 = arith.constant 0 : i32
        %dma_wait3A_235 = tpu.memref_slice %arg2[%dma_wait3A_234, %mul3A_41] : memref<64x100000xf32, #tpu.memory_space<hbm>> -> memref<64x384xf32, #tpu.memory_space<hbm>>
        tpu.wait_dma2 semaphore(%arg12 : memref<!tpu.dma_semaphore, #tpu.memory_space<semaphore_mem>>) src(%dma_wait3A_235 : memref<64x384xf32, #tpu.memory_space<hbm>>) dst(%arg6 : memref<64x384xf32, #tpu.memory_space<vmem>>)
      } else {
      }
      %eq3A_47 = arith.constant 260 : i32
      %eq3A_48 = arith.cmpi eq, %add3A_39, %eq3A_47 : i32
      %convert_element_type3A_49 = arith.extui %eq3A_48 : i1 to i32
      %cond3A_50 = arith.constant 0 : i32
      %cond3A_51 = arith.cmpi ne, %convert_element_type3A_49, %cond3A_50 : i32
      scf.if %cond3A_51 {
        %dma_wait3A = arith.constant 0 : i32
        %dma_wait3A_233 = arith.constant 0 : i32
        %dma_wait3A_234 = tpu.memref_slice %arg6[%dma_wait3A, %dma_wait3A_233] : memref<64x384xf32, #tpu.memory_space<vmem>> -> memref<64x128xf32, #tpu.memory_space<vmem>>
        %dma_wait3A_235 = arith.constant 0 : i32
        %dma_wait3A_236 = arith.constant 99840 : i32
        %dma_wait3A_237 = tpu.memref_slice %arg2[%dma_wait3A_235, %dma_wait3A_236] : memref<64x100000xf32, #tpu.memory_space<hbm>> -> memref<64x128xf32, #tpu.memory_space<hbm>>
        %dma_wait3A_238 = arith.constant 0 : i32
        %dma_wait3A_239 = arith.constant 0 : i32
        %dma_wait3A_240 = tpu.memref_slice %arg6[%dma_wait3A_238, %dma_wait3A_239] : memref<64x384xf32, #tpu.memory_space<vmem>> -> memref<64x128xf32, #tpu.memory_space<vmem>>
        %dma_wait3A_241 = arith.constant 0 : i32
        %dma_wait3A_242 = arith.constant 99840 : i32
        %dma_wait3A_243 = tpu.memref_slice %arg2[%dma_wait3A_241, %dma_wait3A_242] : memref<64x100000xf32, #tpu.memory_space<hbm>> -> memref<64x128xf32, #tpu.memory_space<hbm>>
        tpu.wait_dma2 semaphore(%arg12 : memref<!tpu.dma_semaphore, #tpu.memory_space<semaphore_mem>>) src(%dma_wait3A_243 : memref<64x128xf32, #tpu.memory_space<hbm>>) dst(%dma_wait3A_240 : memref<64x128xf32, #tpu.memory_space<vmem>>)
      } else {
      }
      %sub3A = arith.constant 1 : i32
      %sub3A_52 = arith.subi %add3A_36, %sub3A : i32
      %mul3A_53 = arith.constant 32 : i32
      %mul3A_54 = arith.muli %sub3A_52, %mul3A_53 : i32
      %add3A_55 = arith.addi %add3A, %mul3A_54 : i32
      %mul3A_56 = arith.constant 384 : i32
      %mul3A_57 = arith.muli %add3A_55, %mul3A_56 : i32
      %ge3A = arith.constant 0 : i32
      %ge3A_58 = arith.cmpi sge, %add3A_55, %ge3A : i32
      %lt3A_59 = arith.constant 260 : i32
      %lt3A_60 = arith.cmpi slt, %add3A_55, %lt3A_59 : i32
      %and3A = arith.andi %ge3A_58, %lt3A_60 : i1
      %convert_element_type3A_61 = arith.extui %and3A : i1 to i32
      %cond3A_62 = arith.constant 0 : i32
      %cond3A_63 = arith.cmpi ne, %convert_element_type3A_61, %cond3A_62 : i32
      scf.if %cond3A_63 {
        %dma_wait3A = arith.constant 0 : i32
        %dma_wait3A_233 = tpu.memref_slice %arg5[%dma_wait3A, %mul3A_57] : memref<64x100000xf32, #tpu.memory_space<hbm>> -> memref<64x384xf32, #tpu.memory_space<hbm>>
        %dma_wait3A_234 = arith.constant 0 : i32
        %dma_wait3A_235 = tpu.memref_slice %arg5[%dma_wait3A_234, %mul3A_57] : memref<64x100000xf32, #tpu.memory_space<hbm>> -> memref<64x384xf32, #tpu.memory_space<hbm>>
        tpu.wait_dma2 semaphore(%arg15 : memref<!tpu.dma_semaphore, #tpu.memory_space<semaphore_mem>>) src(%arg7 : memref<64x384xf32, #tpu.memory_space<vmem>>) dst(%dma_wait3A_235 : memref<64x384xf32, #tpu.memory_space<hbm>>)
      } else {
      }
      %eq3A_64 = arith.constant 260 : i32
      %eq3A_65 = arith.cmpi eq, %add3A_55, %eq3A_64 : i32
      %convert_element_type3A_66 = arith.extui %eq3A_65 : i1 to i32
      %cond3A_67 = arith.constant 0 : i32
      %cond3A_68 = arith.cmpi ne, %convert_element_type3A_66, %cond3A_67 : i32
      scf.if %cond3A_68 {
        %dma_wait3A = arith.constant 0 : i32
        %dma_wait3A_233 = arith.constant 0 : i32
        %dma_wait3A_234 = tpu.memref_slice %arg7[%dma_wait3A, %dma_wait3A_233] : memref<64x384xf32, #tpu.memory_space<vmem>> -> memref<64x128xf32, #tpu.memory_space<vmem>>
        %dma_wait3A_235 = arith.constant 0 : i32
        %dma_wait3A_236 = arith.constant 99840 : i32
        %dma_wait3A_237 = tpu.memref_slice %arg5[%dma_wait3A_235, %dma_wait3A_236] : memref<64x100000xf32, #tpu.memory_space<hbm>> -> memref<64x128xf32, #tpu.memory_space<hbm>>
        %dma_wait3A_238 = arith.constant 0 : i32
        %dma_wait3A_239 = arith.constant 99840 : i32
        %dma_wait3A_240 = tpu.memref_slice %arg5[%dma_wait3A_238, %dma_wait3A_239] : memref<64x100000xf32, #tpu.memory_space<hbm>> -> memref<64x128xf32, #tpu.memory_space<hbm>>
        %dma_wait3A_241 = arith.constant 0 : i32
        %dma_wait3A_242 = arith.constant 0 : i32
        %dma_wait3A_243 = tpu.memref_slice %arg7[%dma_wait3A_241, %dma_wait3A_242] : memref<64x384xf32, #tpu.memory_space<vmem>> -> memref<64x128xf32, #tpu.memory_space<vmem>>
        tpu.wait_dma2 semaphore(%arg15 : memref<!tpu.dma_semaphore, #tpu.memory_space<semaphore_mem>>) src(%dma_wait3A_243 : memref<64x128xf32, #tpu.memory_space<vmem>>) dst(%dma_wait3A_240 : memref<64x128xf32, #tpu.memory_space<hbm>>)
      } else {
      }
      %add3A_69 = arith.constant 1 : i32
      %add3A_70 = arith.addi %add3A_36, %add3A_69 : i32
      %mul3A_71 = arith.constant 32 : i32
      %mul3A_72 = arith.muli %add3A_70, %mul3A_71 : i32
      %add3A_73 = arith.addi %add3A, %mul3A_72 : i32
      %mul3A_74 = arith.constant 384 : i32
      %mul3A_75 = arith.muli %add3A_73, %mul3A_74 : i32
      %lt3A_76 = arith.constant 260 : i32
      %lt3A_77 = arith.cmpi slt, %add3A_73, %lt3A_76 : i32
      %convert_element_type3A_78 = arith.extui %lt3A_77 : i1 to i32
      %cond3A_79 = arith.constant 0 : i32
      %cond3A_80 = arith.cmpi ne, %convert_element_type3A_78, %cond3A_79 : i32
      scf.if %cond3A_80 {
        %dma_start3A = arith.constant 0 : i32
        %dma_start3A_233 = tpu.memref_slice %arg2[%dma_start3A, %mul3A_75] : memref<64x100000xf32, #tpu.memory_space<hbm>> -> memref<64x384xf32, #tpu.memory_space<hbm>>
        %dma_start3A_234 = arith.constant 0 : i32
        %dma_start3A_235 = tpu.memref_slice %arg2[%dma_start3A_234, %mul3A_75] : memref<64x100000xf32, #tpu.memory_space<hbm>> -> memref<64x384xf32, #tpu.memory_space<hbm>>
        tpu.enqueue_dma source(%dma_start3A_235 : memref<64x384xf32, #tpu.memory_space<hbm>>) target(%arg7 : memref<64x384xf32, #tpu.memory_space<vmem>>) target_semaphore(%arg13 : memref<!tpu.dma_semaphore, #tpu.memory_space<semaphore_mem>>)
      } else {
      }
      %eq3A_81 = arith.constant 260 : i32
      %eq3A_82 = arith.cmpi eq, %add3A_73, %eq3A_81 : i32
      %convert_element_type3A_83 = arith.extui %eq3A_82 : i1 to i32
      %cond3A_84 = arith.constant 0 : i32
      %cond3A_85 = arith.cmpi ne, %convert_element_type3A_83, %cond3A_84 : i32
      scf.if %cond3A_85 {
        %dma_start3A = arith.constant 0 : i32
        %dma_start3A_233 = arith.constant 0 : i32
        %dma_start3A_234 = tpu.memref_slice %arg7[%dma_start3A, %dma_start3A_233] : memref<64x384xf32, #tpu.memory_space<vmem>> -> memref<64x128xf32, #tpu.memory_space<vmem>>
        %dma_start3A_235 = arith.constant 0 : i32
        %dma_start3A_236 = arith.constant 99840 : i32
        %dma_start3A_237 = tpu.memref_slice %arg2[%dma_start3A_235, %dma_start3A_236] : memref<64x100000xf32, #tpu.memory_space<hbm>> -> memref<64x128xf32, #tpu.memory_space<hbm>>
        %dma_start3A_238 = arith.constant 0 : i32
        %dma_start3A_239 = arith.constant 0 : i32
        %dma_start3A_240 = tpu.memref_slice %arg7[%dma_start3A_238, %dma_start3A_239] : memref<64x384xf32, #tpu.memory_space<vmem>> -> memref<64x128xf32, #tpu.memory_space<vmem>>
        %dma_start3A_241 = arith.constant 0 : i32
        %dma_start3A_242 = arith.constant 99840 : i32
        %dma_start3A_243 = tpu.memref_slice %arg2[%dma_start3A_241, %dma_start3A_242] : memref<64x100000xf32, #tpu.memory_space<hbm>> -> memref<64x128xf32, #tpu.memory_space<hbm>>
        tpu.enqueue_dma source(%dma_start3A_243 : memref<64x128xf32, #tpu.memory_space<hbm>>) target(%dma_start3A_240 : memref<64x128xf32, #tpu.memory_space<vmem>>) target_semaphore(%arg13 : memref<!tpu.dma_semaphore, #tpu.memory_space<semaphore_mem>>)
      } else {
      }
      %mul3A_86 = arith.constant 32 : i32
      %mul3A_87 = arith.muli %add3A_36, %mul3A_86 : i32
      %add3A_88 = arith.addi %add3A, %mul3A_87 : i32
      %mul3A_89 = arith.constant 384 : i32
      %mul3A_90 = arith.muli %add3A_88, %mul3A_89 : i32
      %iota3A = tpu.iota {dimensions = array<i32: 0>} : vector<16xi32>
      %eq3A_91 = vector.broadcast %add3A_36 : i32 to vector<16xi32>
      %eq3A_92 = arith.cmpi eq, %iota3A, %eq3A_91 : vector<16xi32>
      %jit3A = arith.constant 0 : i32
      %broadcast_in_dim3A_93 = vector.broadcast %jit3A : i32 to vector<16xi32>
      %select_n3A = arith.select %eq3A_92, %get3A_25, %broadcast_in_dim3A_93 : vector<16xi1>, vector<16xi32>
      %reduce_max3A = arith.constant true
      %reduce_max3A_94 = vector.broadcast %reduce_max3A : i1 to vector<16xi1>
      %reduce_max3A_95 = arith.constant -2147483648 : i32
      %reduce_max3A_96 = vector.broadcast %reduce_max3A_95 : i32 to vector<16xi32>
      %reduce_max3A_97 = arith.xori %select_n3A, %reduce_max3A_96 : vector<16xi32>
      %reduce_max3A_98 = tpu.scan <max>, %reduce_max3A_97 masked %reduce_max3A_94 : vector<16xi32>, vector<16xi1> -> vector<16xi32>
      %reduce_max3A_99 = arith.xori %reduce_max3A_98, %reduce_max3A_96 : vector<16xi32>
      %reduce_max3A_100 = vector.extract %reduce_max3A_99[15] : i32 from vector<16xi32>
      %gt3A = arith.constant 0 : i32
      %gt3A_101 = arith.cmpi sgt, %reduce_max3A_100, %gt3A : i32
      %lt3A_102 = arith.constant 260 : i32
      %lt3A_103 = arith.cmpi slt, %add3A_88, %lt3A_102 : i32
      %and3A_104 = arith.andi %gt3A_101, %lt3A_103 : i1
      %convert_element_type3A_105 = arith.extui %and3A_104 : i1 to i32
      %cond3A_106 = arith.constant 0 : i32
      %cond3A_107 = arith.cmpi ne, %convert_element_type3A_105, %cond3A_106 : i32
      scf.if %cond3A_107 {
        %scan3A_233 = arith.constant 0 : i32
        %scan3A_234 = arith.constant 0 : i32
        %scan3A_235 = arith.constant 64 : i32
        %scan3A_236 = arith.addi %scan3A_234, %scan3A_235 : i32
        %scan3A_237 = arith.constant 1 : i32
        scf.for %scan3A_239 = %scan3A_234 to %scan3A_236 step %scan3A_237  : i32 {
          %mul3A_240 = arith.constant 16 : i32
          %mul3A_241 = arith.muli %scan3A_239, %mul3A_240 : i32
          %get3A_242 = arith.constant 0 : i32
          %get3A_243 = arith.index_cast %get3A_242 : i32 to index
          %get3A_244 = arith.index_cast %mul3A_241 : i32 to index
          %get3A_245 = tpu.vector_load %arg10[%get3A_243, %get3A_244] {strides = array<i32>} : memref<1x1024xi32, #tpu.memory_space<vmem>>, vector<16xi32>,
          %sub3A_246 = vector.broadcast %mul3A_90 : i32 to vector<16xi32>
          %sub3A_247 = arith.subi %get3A_245, %sub3A_246 : vector<16xi32>
          %ge3A_248 = arith.constant 0 : i32
          %ge3A_249 = vector.broadcast %ge3A_248 : i32 to vector<16xi32>
          %ge3A_250 = arith.cmpi sge, %sub3A_247, %ge3A_249 : vector<16xi32>
          %lt3A_251 = arith.constant 384 : i32
          %lt3A_252 = vector.broadcast %lt3A_251 : i32 to vector<16xi32>
          %lt3A_253 = arith.cmpi slt, %sub3A_247, %lt3A_252 : vector<16xi32>
          %and3A_254 = arith.andi %ge3A_250, %lt3A_253 : vector<16xi1>
          %reduce_or3A = arith.constant 1.000000e+00 : f32
          %reduce_or3A_255 = arith.constant 0.000000e+00 : f32
          %reduce_or3A_256 = vector.broadcast %reduce_or3A : f32 to vector<16xf32>
          %reduce_or3A_257 = vector.broadcast %reduce_or3A_255 : f32 to vector<16xf32>
          %reduce_or3A_258 = arith.select %and3A_254, %reduce_or3A_256, %reduce_or3A_257 : vector<16xi1>, vector<16xf32>
          %reduce_or3A_259 = arith.constant true
          %reduce_or3A_260 = vector.broadcast %reduce_or3A_259 : i1 to vector<16xi1>
          %reduce_or3A_261 = tpu.scan <max>, %reduce_or3A_258 masked %reduce_or3A_260 : vector<16xf32>, vector<16xi1> -> vector<16xf32>
          %reduce_or3A_262 = vector.extract %reduce_or3A_261[15] : f32 from vector<16xf32>
          %reduce_or3A_263 = arith.constant 0.000000e+00 : f32
          %reduce_or3A_264 = arith.cmpf ogt, %reduce_or3A_262, %reduce_or3A_263 : f32
          %convert_element_type3A_265 = arith.extui %reduce_or3A_264 : i1 to i32
          %cond3A_266 = arith.constant 0 : i32
          %cond3A_267 = arith.cmpi ne, %convert_element_type3A_265, %cond3A_266 : i32
          scf.if %cond3A_267 {
            %jit3A_268 = arith.constant 0 : i32
            %broadcast_in_dim3A_269 = vector.broadcast %jit3A_268 : i32 to vector<16xi32>
            %select_n3A_270 = arith.select %and3A_254, %sub3A_247, %broadcast_in_dim3A_269 : vector<16xi1>, vector<16xi32>
            %scan3A_271 = arith.constant 0 : i32
            %scan3A_272 = arith.constant 0 : i32
            %scan3A_273 = arith.constant 64 : i32
            %scan3A_274 = arith.addi %scan3A_272, %scan3A_273 : i32
            %scan3A_275 = arith.constant 1 : i32
            scf.for %scan3A_277 = %scan3A_272 to %scan3A_274 step %scan3A_275  : i32 {
              %mul3A_278 = arith.constant 16 : i32
              %mul3A_279 = arith.muli %scan3A_239, %mul3A_278 : i32
              %get3A_280 = arith.index_cast %scan3A_277 : i32 to index
              %get3A_281 = arith.index_cast %mul3A_279 : i32 to index
              %get3A_282 = tpu.vector_load %arg8[%get3A_280, %get3A_281] {strides = array<i32>} : memref<64x1024xf32, #tpu.memory_space<vmem>>, vector<16xf32>,
              %broadcast_in_dim3A_283 = vector.broadcast %scan3A_277 : i32 to vector<16xi32>
              tpu.vector_store_idx %arg6[%broadcast_in_dim3A_283, %select_n3A_270], %get3A_282 masked %and3A_254 : memref<64x384xf32, #tpu.memory_space<vmem>>[vector<16xi32>, vector<16xi32>], vector<16xf32>, vector<16xi1>
            }
            %scan3A_276 = arith.constant 64 : i32
          } else {
          }
        }
        %scan3A_238 = arith.constant 64 : i32
      } else {
      }
      %eq3A_108 = arith.constant 260 : i32
      %eq3A_109 = arith.cmpi eq, %add3A_88, %eq3A_108 : i32
      %and3A_110 = arith.andi %gt3A_101, %eq3A_109 : i1
      %convert_element_type3A_111 = arith.extui %and3A_110 : i1 to i32
      %cond3A_112 = arith.constant 0 : i32
      %cond3A_113 = arith.cmpi ne, %convert_element_type3A_111, %cond3A_112 : i32
      scf.if %cond3A_113 {
        %scan3A_233 = arith.constant 0 : i32
        %scan3A_234 = arith.constant 0 : i32
        %scan3A_235 = arith.constant 64 : i32
        %scan3A_236 = arith.addi %scan3A_234, %scan3A_235 : i32
        %scan3A_237 = arith.constant 1 : i32
        scf.for %scan3A_239 = %scan3A_234 to %scan3A_236 step %scan3A_237  : i32 {
          %mul3A_240 = arith.constant 16 : i32
          %mul3A_241 = arith.muli %scan3A_239, %mul3A_240 : i32
          %get3A_242 = arith.constant 0 : i32
          %get3A_243 = arith.index_cast %get3A_242 : i32 to index
          %get3A_244 = arith.index_cast %mul3A_241 : i32 to index
          %get3A_245 = tpu.vector_load %arg10[%get3A_243, %get3A_244] {strides = array<i32>} : memref<1x1024xi32, #tpu.memory_space<vmem>>, vector<16xi32>,
          %sub3A_246 = arith.constant 99840 : i32
          %sub3A_247 = vector.broadcast %sub3A_246 : i32 to vector<16xi32>
          %sub3A_248 = arith.subi %get3A_245, %sub3A_247 : vector<16xi32>
          %ge3A_249 = arith.constant 0 : i32
          %ge3A_250 = vector.broadcast %ge3A_249 : i32 to vector<16xi32>
          %ge3A_251 = arith.cmpi sge, %sub3A_248, %ge3A_250 : vector<16xi32>
          %lt3A_252 = arith.constant 128 : i32
          %lt3A_253 = vector.broadcast %lt3A_252 : i32 to vector<16xi32>
          %lt3A_254 = arith.cmpi slt, %sub3A_248, %lt3A_253 : vector<16xi32>
          %and3A_255 = arith.andi %ge3A_251, %lt3A_254 : vector<16xi1>
          %reduce_or3A = arith.constant 1.000000e+00 : f32
          %reduce_or3A_256 = arith.constant 0.000000e+00 : f32
          %reduce_or3A_257 = vector.broadcast %reduce_or3A : f32 to vector<16xf32>
          %reduce_or3A_258 = vector.broadcast %reduce_or3A_256 : f32 to vector<16xf32>
          %reduce_or3A_259 = arith.select %and3A_255, %reduce_or3A_257, %reduce_or3A_258 : vector<16xi1>, vector<16xf32>
          %reduce_or3A_260 = arith.constant true
          %reduce_or3A_261 = vector.broadcast %reduce_or3A_260 : i1 to vector<16xi1>
          %reduce_or3A_262 = tpu.scan <max>, %reduce_or3A_259 masked %reduce_or3A_261 : vector<16xf32>, vector<16xi1> -> vector<16xf32>
          %reduce_or3A_263 = vector.extract %reduce_or3A_262[15] : f32 from vector<16xf32>
          %reduce_or3A_264 = arith.constant 0.000000e+00 : f32
          %reduce_or3A_265 = arith.cmpf ogt, %reduce_or3A_263, %reduce_or3A_264 : f32
          %convert_element_type3A_266 = arith.extui %reduce_or3A_265 : i1 to i32
          %cond3A_267 = arith.constant 0 : i32
          %cond3A_268 = arith.cmpi ne, %convert_element_type3A_266, %cond3A_267 : i32
          scf.if %cond3A_268 {
            %jit3A_269 = arith.constant 0 : i32
            %broadcast_in_dim3A_270 = vector.broadcast %jit3A_269 : i32 to vector<16xi32>
            %select_n3A_271 = arith.select %and3A_255, %sub3A_248, %broadcast_in_dim3A_270 : vector<16xi1>, vector<16xi32>
            %scan3A_272 = arith.constant 0 : i32
            %scan3A_273 = arith.constant 0 : i32
            %scan3A_274 = arith.constant 64 : i32
            %scan3A_275 = arith.addi %scan3A_273, %scan3A_274 : i32
            %scan3A_276 = arith.constant 1 : i32
            scf.for %scan3A_278 = %scan3A_273 to %scan3A_275 step %scan3A_276  : i32 {
              %mul3A_279 = arith.constant 16 : i32
              %mul3A_280 = arith.muli %scan3A_239, %mul3A_279 : i32
              %get3A_281 = arith.index_cast %scan3A_278 : i32 to index
              %get3A_282 = arith.index_cast %mul3A_280 : i32 to index
              %get3A_283 = tpu.vector_load %arg8[%get3A_281, %get3A_282] {strides = array<i32>} : memref<64x1024xf32, #tpu.memory_space<vmem>>, vector<16xf32>,
              %broadcast_in_dim3A_284 = vector.broadcast %scan3A_278 : i32 to vector<16xi32>
              tpu.vector_store_idx %arg6[%broadcast_in_dim3A_284, %select_n3A_271], %get3A_283 masked %and3A_255 : memref<64x384xf32, #tpu.memory_space<vmem>>[vector<16xi32>, vector<16xi32>], vector<16xf32>, vector<16xi1>
            }
            %scan3A_277 = arith.constant 64 : i32
          } else {
          }
        }
        %scan3A_238 = arith.constant 64 : i32
      } else {
      }
      %mul3A_114 = arith.constant 32 : i32
      %mul3A_115 = arith.muli %add3A_36, %mul3A_114 : i32
      %add3A_116 = arith.addi %add3A, %mul3A_115 : i32
      %mul3A_117 = arith.constant 384 : i32
      %mul3A_118 = arith.muli %add3A_116, %mul3A_117 : i32
      %lt3A_119 = arith.constant 260 : i32
      %lt3A_120 = arith.cmpi slt, %add3A_116, %lt3A_119 : i32
      %convert_element_type3A_121 = arith.extui %lt3A_120 : i1 to i32
      %cond3A_122 = arith.constant 0 : i32
      %cond3A_123 = arith.cmpi ne, %convert_element_type3A_121, %cond3A_122 : i32
      scf.if %cond3A_123 {
        %dma_start3A = arith.constant 0 : i32
        %dma_start3A_233 = tpu.memref_slice %arg5[%dma_start3A, %mul3A_118] : memref<64x100000xf32, #tpu.memory_space<hbm>> -> memref<64x384xf32, #tpu.memory_space<hbm>>
        %dma_start3A_234 = arith.constant 0 : i32
        %dma_start3A_235 = tpu.memref_slice %arg5[%dma_start3A_234, %mul3A_118] : memref<64x100000xf32, #tpu.memory_space<hbm>> -> memref<64x384xf32, #tpu.memory_space<hbm>>
        tpu.enqueue_dma source(%arg6 : memref<64x384xf32, #tpu.memory_space<vmem>>) target(%dma_start3A_235 : memref<64x384xf32, #tpu.memory_space<hbm>>) target_semaphore(%arg14 : memref<!tpu.dma_semaphore, #tpu.memory_space<semaphore_mem>>)
      } else {
      }
      %eq3A_124 = arith.constant 260 : i32
      %eq3A_125 = arith.cmpi eq, %add3A_116, %eq3A_124 : i32
      %convert_element_type3A_126 = arith.extui %eq3A_125 : i1 to i32
      %cond3A_127 = arith.constant 0 : i32
      %cond3A_128 = arith.cmpi ne, %convert_element_type3A_126, %cond3A_127 : i32
      scf.if %cond3A_128 {
        %dma_start3A = arith.constant 0 : i32
        %dma_start3A_233 = arith.constant 0 : i32
        %dma_start3A_234 = tpu.memref_slice %arg6[%dma_start3A, %dma_start3A_233] : memref<64x384xf32, #tpu.memory_space<vmem>> -> memref<64x128xf32, #tpu.memory_space<vmem>>
        %dma_start3A_235 = arith.constant 0 : i32
        %dma_start3A_236 = arith.constant 99840 : i32
        %dma_start3A_237 = tpu.memref_slice %arg5[%dma_start3A_235, %dma_start3A_236] : memref<64x100000xf32, #tpu.memory_space<hbm>> -> memref<64x128xf32, #tpu.memory_space<hbm>>
        %dma_start3A_238 = arith.constant 0 : i32
        %dma_start3A_239 = arith.constant 99840 : i32
        %dma_start3A_240 = tpu.memref_slice %arg5[%dma_start3A_238, %dma_start3A_239] : memref<64x100000xf32, #tpu.memory_space<hbm>> -> memref<64x128xf32, #tpu.memory_space<hbm>>
        %dma_start3A_241 = arith.constant 0 : i32
        %dma_start3A_242 = arith.constant 0 : i32
        %dma_start3A_243 = tpu.memref_slice %arg6[%dma_start3A_241, %dma_start3A_242] : memref<64x384xf32, #tpu.memory_space<vmem>> -> memref<64x128xf32, #tpu.memory_space<vmem>>
        tpu.enqueue_dma source(%dma_start3A_243 : memref<64x128xf32, #tpu.memory_space<vmem>>) target(%dma_start3A_240 : memref<64x128xf32, #tpu.memory_space<hbm>>) target_semaphore(%arg14 : memref<!tpu.dma_semaphore, #tpu.memory_space<semaphore_mem>>)
      } else {
      }
      %mul3A_129 = arith.constant 2 : i32
      %mul3A_130 = arith.muli %scan3A_32, %mul3A_129 : i32
      %add3A_131 = arith.constant 1 : i32
      %add3A_132 = arith.addi %mul3A_130, %add3A_131 : i32
      %mul3A_133 = arith.constant 32 : i32
      %mul3A_134 = arith.muli %add3A_132, %mul3A_133 : i32
      %add3A_135 = arith.addi %add3A, %mul3A_134 : i32
      %mul3A_136 = arith.constant 384 : i32
      %mul3A_137 = arith.muli %add3A_135, %mul3A_136 : i32
      %lt3A_138 = arith.constant 260 : i32
      %lt3A_139 = arith.cmpi slt, %add3A_135, %lt3A_138 : i32
      %convert_element_type3A_140 = arith.extui %lt3A_139 : i1 to i32
      %cond3A_141 = arith.constant 0 : i32
      %cond3A_142 = arith.cmpi ne, %convert_element_type3A_140, %cond3A_141 : i32
      scf.if %cond3A_142 {
        %dma_wait3A = arith.constant 0 : i32
        %dma_wait3A_233 = tpu.memref_slice %arg2[%dma_wait3A, %mul3A_137] : memref<64x100000xf32, #tpu.memory_space<hbm>> -> memref<64x384xf32, #tpu.memory_space<hbm>>
        %dma_wait3A_234 = arith.constant 0 : i32
        %dma_wait3A_235 = tpu.memref_slice %arg2[%dma_wait3A_234, %mul3A_137] : memref<64x100000xf32, #tpu.memory_space<hbm>> -> memref<64x384xf32, #tpu.memory_space<hbm>>
        tpu.wait_dma2 semaphore(%arg13 : memref<!tpu.dma_semaphore, #tpu.memory_space<semaphore_mem>>) src(%dma_wait3A_235 : memref<64x384xf32, #tpu.memory_space<hbm>>) dst(%arg7 : memref<64x384xf32, #tpu.memory_space<vmem>>)
      } else {
      }
      %eq3A_143 = arith.constant 260 : i32
      %eq3A_144 = arith.cmpi eq, %add3A_135, %eq3A_143 : i32
      %convert_element_type3A_145 = arith.extui %eq3A_144 : i1 to i32
      %cond3A_146 = arith.constant 0 : i32
      %cond3A_147 = arith.cmpi ne, %convert_element_type3A_145, %cond3A_146 : i32
      scf.if %cond3A_147 {
        %dma_wait3A = arith.constant 0 : i32
        %dma_wait3A_233 = arith.constant 0 : i32
        %dma_wait3A_234 = tpu.memref_slice %arg7[%dma_wait3A, %dma_wait3A_233] : memref<64x384xf32, #tpu.memory_space<vmem>> -> memref<64x128xf32, #tpu.memory_space<vmem>>
        %dma_wait3A_235 = arith.constant 0 : i32
        %dma_wait3A_236 = arith.constant 99840 : i32
        %dma_wait3A_237 = tpu.memref_slice %arg2[%dma_wait3A_235, %dma_wait3A_236] : memref<64x100000xf32, #tpu.memory_space<hbm>> -> memref<64x128xf32, #tpu.memory_space<hbm>>
        %dma_wait3A_238 = arith.constant 0 : i32
        %dma_wait3A_239 = arith.constant 0 : i32
        %dma_wait3A_240 = tpu.memref_slice %arg7[%dma_wait3A_238, %dma_wait3A_239] : memref<64x384xf32, #tpu.memory_space<vmem>> -> memref<64x128xf32, #tpu.memory_space<vmem>>
        %dma_wait3A_241 = arith.constant 0 : i32
        %dma_wait3A_242 = arith.constant 99840 : i32
        %dma_wait3A_243 = tpu.memref_slice %arg2[%dma_wait3A_241, %dma_wait3A_242] : memref<64x100000xf32, #tpu.memory_space<hbm>> -> memref<64x128xf32, #tpu.memory_space<hbm>>
        tpu.wait_dma2 semaphore(%arg13 : memref<!tpu.dma_semaphore, #tpu.memory_space<semaphore_mem>>) src(%dma_wait3A_243 : memref<64x128xf32, #tpu.memory_space<hbm>>) dst(%dma_wait3A_240 : memref<64x128xf32, #tpu.memory_space<vmem>>)
      } else {
      }
      %sub3A_148 = arith.constant 1 : i32
      %sub3A_149 = arith.subi %add3A_132, %sub3A_148 : i32
      %mul3A_150 = arith.constant 32 : i32
      %mul3A_151 = arith.muli %sub3A_149, %mul3A_150 : i32
      %add3A_152 = arith.addi %add3A, %mul3A_151 : i32
      %mul3A_153 = arith.constant 384 : i32
      %mul3A_154 = arith.muli %add3A_152, %mul3A_153 : i32
      %ge3A_155 = arith.constant 0 : i32
      %ge3A_156 = arith.cmpi sge, %add3A_152, %ge3A_155 : i32
      %lt3A_157 = arith.constant 260 : i32
      %lt3A_158 = arith.cmpi slt, %add3A_152, %lt3A_157 : i32
      %and3A_159 = arith.andi %ge3A_156, %lt3A_158 : i1
      %convert_element_type3A_160 = arith.extui %and3A_159 : i1 to i32
      %cond3A_161 = arith.constant 0 : i32
      %cond3A_162 = arith.cmpi ne, %convert_element_type3A_160, %cond3A_161 : i32
      scf.if %cond3A_162 {
        %dma_wait3A = arith.constant 0 : i32
        %dma_wait3A_233 = tpu.memref_slice %arg5[%dma_wait3A, %mul3A_154] : memref<64x100000xf32, #tpu.memory_space<hbm>> -> memref<64x384xf32, #tpu.memory_space<hbm>>
        %dma_wait3A_234 = arith.constant 0 : i32
        %dma_wait3A_235 = tpu.memref_slice %arg5[%dma_wait3A_234, %mul3A_154] : memref<64x100000xf32, #tpu.memory_space<hbm>> -> memref<64x384xf32, #tpu.memory_space<hbm>>
        tpu.wait_dma2 semaphore(%arg14 : memref<!tpu.dma_semaphore, #tpu.memory_space<semaphore_mem>>) src(%arg6 : memref<64x384xf32, #tpu.memory_space<vmem>>) dst(%dma_wait3A_235 : memref<64x384xf32, #tpu.memory_space<hbm>>)
      } else {
      }
      %eq3A_163 = arith.constant 260 : i32
      %eq3A_164 = arith.cmpi eq, %add3A_152, %eq3A_163 : i32
      %convert_element_type3A_165 = arith.extui %eq3A_164 : i1 to i32
      %cond3A_166 = arith.constant 0 : i32
      %cond3A_167 = arith.cmpi ne, %convert_element_type3A_165, %cond3A_166 : i32
      scf.if %cond3A_167 {
        %dma_wait3A = arith.constant 0 : i32
        %dma_wait3A_233 = arith.constant 0 : i32
        %dma_wait3A_234 = tpu.memref_slice %arg6[%dma_wait3A, %dma_wait3A_233] : memref<64x384xf32, #tpu.memory_space<vmem>> -> memref<64x128xf32, #tpu.memory_space<vmem>>
        %dma_wait3A_235 = arith.constant 0 : i32
        %dma_wait3A_236 = arith.constant 99840 : i32
        %dma_wait3A_237 = tpu.memref_slice %arg5[%dma_wait3A_235, %dma_wait3A_236] : memref<64x100000xf32, #tpu.memory_space<hbm>> -> memref<64x128xf32, #tpu.memory_space<hbm>>
        %dma_wait3A_238 = arith.constant 0 : i32
        %dma_wait3A_239 = arith.constant 99840 : i32
        %dma_wait3A_240 = tpu.memref_slice %arg5[%dma_wait3A_238, %dma_wait3A_239] : memref<64x100000xf32, #tpu.memory_space<hbm>> -> memref<64x128xf32, #tpu.memory_space<hbm>>
        %dma_wait3A_241 = arith.constant 0 : i32
        %dma_wait3A_242 = arith.constant 0 : i32
        %dma_wait3A_243 = tpu.memref_slice %arg6[%dma_wait3A_241, %dma_wait3A_242] : memref<64x384xf32, #tpu.memory_space<vmem>> -> memref<64x128xf32, #tpu.memory_space<vmem>>
        tpu.wait_dma2 semaphore(%arg14 : memref<!tpu.dma_semaphore, #tpu.memory_space<semaphore_mem>>) src(%dma_wait3A_243 : memref<64x128xf32, #tpu.memory_space<vmem>>) dst(%dma_wait3A_240 : memref<64x128xf32, #tpu.memory_space<hbm>>)
      } else {
      }
      %add3A_168 = arith.constant 1 : i32
      %add3A_169 = arith.addi %add3A_132, %add3A_168 : i32
      %mul3A_170 = arith.constant 32 : i32
      %mul3A_171 = arith.muli %add3A_169, %mul3A_170 : i32
      %add3A_172 = arith.addi %add3A, %mul3A_171 : i32
      %mul3A_173 = arith.constant 384 : i32
      %mul3A_174 = arith.muli %add3A_172, %mul3A_173 : i32
      %lt3A_175 = arith.constant 260 : i32
      %lt3A_176 = arith.cmpi slt, %add3A_172, %lt3A_175 : i32
      %convert_element_type3A_177 = arith.extui %lt3A_176 : i1 to i32
      %cond3A_178 = arith.constant 0 : i32
      %cond3A_179 = arith.cmpi ne, %convert_element_type3A_177, %cond3A_178 : i32
      scf.if %cond3A_179 {
        %dma_start3A = arith.constant 0 : i32
        %dma_start3A_233 = tpu.memref_slice %arg2[%dma_start3A, %mul3A_174] : memref<64x100000xf32, #tpu.memory_space<hbm>> -> memref<64x384xf32, #tpu.memory_space<hbm>>
        %dma_start3A_234 = arith.constant 0 : i32
        %dma_start3A_235 = tpu.memref_slice %arg2[%dma_start3A_234, %mul3A_174] : memref<64x100000xf32, #tpu.memory_space<hbm>> -> memref<64x384xf32, #tpu.memory_space<hbm>>
        tpu.enqueue_dma source(%dma_start3A_235 : memref<64x384xf32, #tpu.memory_space<hbm>>) target(%arg6 : memref<64x384xf32, #tpu.memory_space<vmem>>) target_semaphore(%arg12 : memref<!tpu.dma_semaphore, #tpu.memory_space<semaphore_mem>>)
      } else {
      }
      %eq3A_180 = arith.constant 260 : i32
      %eq3A_181 = arith.cmpi eq, %add3A_172, %eq3A_180 : i32
      %convert_element_type3A_182 = arith.extui %eq3A_181 : i1 to i32
      %cond3A_183 = arith.constant 0 : i32
      %cond3A_184 = arith.cmpi ne, %convert_element_type3A_182, %cond3A_183 : i32
      scf.if %cond3A_184 {
        %dma_start3A = arith.constant 0 : i32
        %dma_start3A_233 = arith.constant 0 : i32
        %dma_start3A_234 = tpu.memref_slice %arg6[%dma_start3A, %dma_start3A_233] : memref<64x384xf32, #tpu.memory_space<vmem>> -> memref<64x128xf32, #tpu.memory_space<vmem>>
        %dma_start3A_235 = arith.constant 0 : i32
        %dma_start3A_236 = arith.constant 99840 : i32
        %dma_start3A_237 = tpu.memref_slice %arg2[%dma_start3A_235, %dma_start3A_236] : memref<64x100000xf32, #tpu.memory_space<hbm>> -> memref<64x128xf32, #tpu.memory_space<hbm>>
        %dma_start3A_238 = arith.constant 0 : i32
        %dma_start3A_239 = arith.constant 0 : i32
        %dma_start3A_240 = tpu.memref_slice %arg6[%dma_start3A_238, %dma_start3A_239] : memref<64x384xf32, #tpu.memory_space<vmem>> -> memref<64x128xf32, #tpu.memory_space<vmem>>
        %dma_start3A_241 = arith.constant 0 : i32
        %dma_start3A_242 = arith.constant 99840 : i32
        %dma_start3A_243 = tpu.memref_slice %arg2[%dma_start3A_241, %dma_start3A_242] : memref<64x100000xf32, #tpu.memory_space<hbm>> -> memref<64x128xf32, #tpu.memory_space<hbm>>
        tpu.enqueue_dma source(%dma_start3A_243 : memref<64x128xf32, #tpu.memory_space<hbm>>) target(%dma_start3A_240 : memref<64x128xf32, #tpu.memory_space<vmem>>) target_semaphore(%arg12 : memref<!tpu.dma_semaphore, #tpu.memory_space<semaphore_mem>>)
      } else {
      }
      %mul3A_185 = arith.constant 32 : i32
      %mul3A_186 = arith.muli %add3A_132, %mul3A_185 : i32
      %add3A_187 = arith.addi %add3A, %mul3A_186 : i32
      %mul3A_188 = arith.constant 384 : i32
      %mul3A_189 = arith.muli %add3A_187, %mul3A_188 : i32
      %iota3A_190 = tpu.iota {dimensions = array<i32: 0>} : vector<16xi32>
      %eq3A_191 = vector.broadcast %add3A_132 : i32 to vector<16xi32>
      %eq3A_192 = arith.cmpi eq, %iota3A_190, %eq3A_191 : vector<16xi32>
      %jit3A_193 = arith.constant 0 : i32
      %broadcast_in_dim3A_194 = vector.broadcast %jit3A_193 : i32 to vector<16xi32>
      %select_n3A_195 = arith.select %eq3A_192, %get3A_25, %broadcast_in_dim3A_194 : vector<16xi1>, vector<16xi32>
      %reduce_max3A_196 = arith.constant true
      %reduce_max3A_197 = vector.broadcast %reduce_max3A_196 : i1 to vector<16xi1>
      %reduce_max3A_198 = arith.constant -2147483648 : i32
      %reduce_max3A_199 = vector.broadcast %reduce_max3A_198 : i32 to vector<16xi32>
      %reduce_max3A_200 = arith.xori %select_n3A_195, %reduce_max3A_199 : vector<16xi32>
      %reduce_max3A_201 = tpu.scan <max>, %reduce_max3A_200 masked %reduce_max3A_197 : vector<16xi32>, vector<16xi1> -> vector<16xi32>
      %reduce_max3A_202 = arith.xori %reduce_max3A_201, %reduce_max3A_199 : vector<16xi32>
      %reduce_max3A_203 = vector.extract %reduce_max3A_202[15] : i32 from vector<16xi32>
      %gt3A_204 = arith.constant 0 : i32
      %gt3A_205 = arith.cmpi sgt, %reduce_max3A_203, %gt3A_204 : i32
      %lt3A_206 = arith.constant 260 : i32
      %lt3A_207 = arith.cmpi slt, %add3A_187, %lt3A_206 : i32
      %and3A_208 = arith.andi %gt3A_205, %lt3A_207 : i1
      %convert_element_type3A_209 = arith.extui %and3A_208 : i1 to i32
      %cond3A_210 = arith.constant 0 : i32
      %cond3A_211 = arith.cmpi ne, %convert_element_type3A_209, %cond3A_210 : i32
      scf.if %cond3A_211 {
        %scan3A_233 = arith.constant 0 : i32
        %scan3A_234 = arith.constant 0 : i32
        %scan3A_235 = arith.constant 64 : i32
        %scan3A_236 = arith.addi %scan3A_234, %scan3A_235 : i32
        %scan3A_237 = arith.constant 1 : i32
        scf.for %scan3A_239 = %scan3A_234 to %scan3A_236 step %scan3A_237  : i32 {
          %mul3A_240 = arith.constant 16 : i32
          %mul3A_241 = arith.muli %scan3A_239, %mul3A_240 : i32
          %get3A_242 = arith.constant 0 : i32
          %get3A_243 = arith.index_cast %get3A_242 : i32 to index
          %get3A_244 = arith.index_cast %mul3A_241 : i32 to index
          %get3A_245 = tpu.vector_load %arg10[%get3A_243, %get3A_244] {strides = array<i32>} : memref<1x1024xi32, #tpu.memory_space<vmem>>, vector<16xi32>,
          %sub3A_246 = vector.broadcast %mul3A_189 : i32 to vector<16xi32>
          %sub3A_247 = arith.subi %get3A_245, %sub3A_246 : vector<16xi32>
          %ge3A_248 = arith.constant 0 : i32
          %ge3A_249 = vector.broadcast %ge3A_248 : i32 to vector<16xi32>
          %ge3A_250 = arith.cmpi sge, %sub3A_247, %ge3A_249 : vector<16xi32>
          %lt3A_251 = arith.constant 384 : i32
          %lt3A_252 = vector.broadcast %lt3A_251 : i32 to vector<16xi32>
          %lt3A_253 = arith.cmpi slt, %sub3A_247, %lt3A_252 : vector<16xi32>
          %and3A_254 = arith.andi %ge3A_250, %lt3A_253 : vector<16xi1>
          %reduce_or3A = arith.constant 1.000000e+00 : f32
          %reduce_or3A_255 = arith.constant 0.000000e+00 : f32
          %reduce_or3A_256 = vector.broadcast %reduce_or3A : f32 to vector<16xf32>
          %reduce_or3A_257 = vector.broadcast %reduce_or3A_255 : f32 to vector<16xf32>
          %reduce_or3A_258 = arith.select %and3A_254, %reduce_or3A_256, %reduce_or3A_257 : vector<16xi1>, vector<16xf32>
          %reduce_or3A_259 = arith.constant true
          %reduce_or3A_260 = vector.broadcast %reduce_or3A_259 : i1 to vector<16xi1>
          %reduce_or3A_261 = tpu.scan <max>, %reduce_or3A_258 masked %reduce_or3A_260 : vector<16xf32>, vector<16xi1> -> vector<16xf32>
          %reduce_or3A_262 = vector.extract %reduce_or3A_261[15] : f32 from vector<16xf32>
          %reduce_or3A_263 = arith.constant 0.000000e+00 : f32
          %reduce_or3A_264 = arith.cmpf ogt, %reduce_or3A_262, %reduce_or3A_263 : f32
          %convert_element_type3A_265 = arith.extui %reduce_or3A_264 : i1 to i32
          %cond3A_266 = arith.constant 0 : i32
          %cond3A_267 = arith.cmpi ne, %convert_element_type3A_265, %cond3A_266 : i32
          scf.if %cond3A_267 {
            %jit3A_268 = arith.constant 0 : i32
            %broadcast_in_dim3A_269 = vector.broadcast %jit3A_268 : i32 to vector<16xi32>
            %select_n3A_270 = arith.select %and3A_254, %sub3A_247, %broadcast_in_dim3A_269 : vector<16xi1>, vector<16xi32>
            %scan3A_271 = arith.constant 0 : i32
            %scan3A_272 = arith.constant 0 : i32
            %scan3A_273 = arith.constant 64 : i32
            %scan3A_274 = arith.addi %scan3A_272, %scan3A_273 : i32
            %scan3A_275 = arith.constant 1 : i32
            scf.for %scan3A_277 = %scan3A_272 to %scan3A_274 step %scan3A_275  : i32 {
              %mul3A_278 = arith.constant 16 : i32
              %mul3A_279 = arith.muli %scan3A_239, %mul3A_278 : i32
              %get3A_280 = arith.index_cast %scan3A_277 : i32 to index
              %get3A_281 = arith.index_cast %mul3A_279 : i32 to index
              %get3A_282 = tpu.vector_load %arg8[%get3A_280, %get3A_281] {strides = array<i32>} : memref<64x1024xf32, #tpu.memory_space<vmem>>, vector<16xf32>,
              %broadcast_in_dim3A_283 = vector.broadcast %scan3A_277 : i32 to vector<16xi32>
              tpu.vector_store_idx %arg7[%broadcast_in_dim3A_283, %select_n3A_270], %get3A_282 masked %and3A_254 : memref<64x384xf32, #tpu.memory_space<vmem>>[vector<16xi32>, vector<16xi32>], vector<16xf32>, vector<16xi1>
            }
            %scan3A_276 = arith.constant 64 : i32
          } else {
          }
        }
        %scan3A_238 = arith.constant 64 : i32
      } else {
      }
      %eq3A_212 = arith.constant 260 : i32
      %eq3A_213 = arith.cmpi eq, %add3A_187, %eq3A_212 : i32
      %and3A_214 = arith.andi %gt3A_205, %eq3A_213 : i1
      %convert_element_type3A_215 = arith.extui %and3A_214 : i1 to i32
      %cond3A_216 = arith.constant 0 : i32
      %cond3A_217 = arith.cmpi ne, %convert_element_type3A_215, %cond3A_216 : i32
      scf.if %cond3A_217 {
        %scan3A_233 = arith.constant 0 : i32
        %scan3A_234 = arith.constant 0 : i32
        %scan3A_235 = arith.constant 64 : i32
        %scan3A_236 = arith.addi %scan3A_234, %scan3A_235 : i32
        %scan3A_237 = arith.constant 1 : i32
        scf.for %scan3A_239 = %scan3A_234 to %scan3A_236 step %scan3A_237  : i32 {
          %mul3A_240 = arith.constant 16 : i32
          %mul3A_241 = arith.muli %scan3A_239, %mul3A_240 : i32
          %get3A_242 = arith.constant 0 : i32
          %get3A_243 = arith.index_cast %get3A_242 : i32 to index
          %get3A_244 = arith.index_cast %mul3A_241 : i32 to index
          %get3A_245 = tpu.vector_load %arg10[%get3A_243, %get3A_244] {strides = array<i32>} : memref<1x1024xi32, #tpu.memory_space<vmem>>, vector<16xi32>,
          %sub3A_246 = arith.constant 99840 : i32
          %sub3A_247 = vector.broadcast %sub3A_246 : i32 to vector<16xi32>
          %sub3A_248 = arith.subi %get3A_245, %sub3A_247 : vector<16xi32>
          %ge3A_249 = arith.constant 0 : i32
          %ge3A_250 = vector.broadcast %ge3A_249 : i32 to vector<16xi32>
          %ge3A_251 = arith.cmpi sge, %sub3A_248, %ge3A_250 : vector<16xi32>
          %lt3A_252 = arith.constant 128 : i32
          %lt3A_253 = vector.broadcast %lt3A_252 : i32 to vector<16xi32>
          %lt3A_254 = arith.cmpi slt, %sub3A_248, %lt3A_253 : vector<16xi32>
          %and3A_255 = arith.andi %ge3A_251, %lt3A_254 : vector<16xi1>
          %reduce_or3A = arith.constant 1.000000e+00 : f32
          %reduce_or3A_256 = arith.constant 0.000000e+00 : f32
          %reduce_or3A_257 = vector.broadcast %reduce_or3A : f32 to vector<16xf32>
          %reduce_or3A_258 = vector.broadcast %reduce_or3A_256 : f32 to vector<16xf32>
          %reduce_or3A_259 = arith.select %and3A_255, %reduce_or3A_257, %reduce_or3A_258 : vector<16xi1>, vector<16xf32>
          %reduce_or3A_260 = arith.constant true
          %reduce_or3A_261 = vector.broadcast %reduce_or3A_260 : i1 to vector<16xi1>
          %reduce_or3A_262 = tpu.scan <max>, %reduce_or3A_259 masked %reduce_or3A_261 : vector<16xf32>, vector<16xi1> -> vector<16xf32>
          %reduce_or3A_263 = vector.extract %reduce_or3A_262[15] : f32 from vector<16xf32>
          %reduce_or3A_264 = arith.constant 0.000000e+00 : f32
          %reduce_or3A_265 = arith.cmpf ogt, %reduce_or3A_263, %reduce_or3A_264 : f32
          %convert_element_type3A_266 = arith.extui %reduce_or3A_265 : i1 to i32
          %cond3A_267 = arith.constant 0 : i32
          %cond3A_268 = arith.cmpi ne, %convert_element_type3A_266, %cond3A_267 : i32
          scf.if %cond3A_268 {
            %jit3A_269 = arith.constant 0 : i32
            %broadcast_in_dim3A_270 = vector.broadcast %jit3A_269 : i32 to vector<16xi32>
            %select_n3A_271 = arith.select %and3A_255, %sub3A_248, %broadcast_in_dim3A_270 : vector<16xi1>, vector<16xi32>
            %scan3A_272 = arith.constant 0 : i32
            %scan3A_273 = arith.constant 0 : i32
            %scan3A_274 = arith.constant 64 : i32
            %scan3A_275 = arith.addi %scan3A_273, %scan3A_274 : i32
            %scan3A_276 = arith.constant 1 : i32
            scf.for %scan3A_278 = %scan3A_273 to %scan3A_275 step %scan3A_276  : i32 {
              %mul3A_279 = arith.constant 16 : i32
              %mul3A_280 = arith.muli %scan3A_239, %mul3A_279 : i32
              %get3A_281 = arith.index_cast %scan3A_278 : i32 to index
              %get3A_282 = arith.index_cast %mul3A_280 : i32 to index
              %get3A_283 = tpu.vector_load %arg8[%get3A_281, %get3A_282] {strides = array<i32>} : memref<64x1024xf32, #tpu.memory_space<vmem>>, vector<16xf32>,
              %broadcast_in_dim3A_284 = vector.broadcast %scan3A_278 : i32 to vector<16xi32>
              tpu.vector_store_idx %arg7[%broadcast_in_dim3A_284, %select_n3A_271], %get3A_283 masked %and3A_255 : memref<64x384xf32, #tpu.memory_space<vmem>>[vector<16xi32>, vector<16xi32>], vector<16xf32>, vector<16xi1>
            }
            %scan3A_277 = arith.constant 64 : i32
          } else {
          }
        }
        %scan3A_238 = arith.constant 64 : i32
      } else {
      }
      %mul3A_218 = arith.constant 32 : i32
      %mul3A_219 = arith.muli %add3A_132, %mul3A_218 : i32
      %add3A_220 = arith.addi %add3A, %mul3A_219 : i32
      %mul3A_221 = arith.constant 384 : i32
      %mul3A_222 = arith.muli %add3A_220, %mul3A_221 : i32
      %lt3A_223 = arith.constant 260 : i32
      %lt3A_224 = arith.cmpi slt, %add3A_220, %lt3A_223 : i32
      %convert_element_type3A_225 = arith.extui %lt3A_224 : i1 to i32
      %cond3A_226 = arith.constant 0 : i32
      %cond3A_227 = arith.cmpi ne, %convert_element_type3A_225, %cond3A_226 : i32
      scf.if %cond3A_227 {
        %dma_start3A = arith.constant 0 : i32
        %dma_start3A_233 = tpu.memref_slice %arg5[%dma_start3A, %mul3A_222] : memref<64x100000xf32, #tpu.memory_space<hbm>> -> memref<64x384xf32, #tpu.memory_space<hbm>>
        %dma_start3A_234 = arith.constant 0 : i32
        %dma_start3A_235 = tpu.memref_slice %arg5[%dma_start3A_234, %mul3A_222] : memref<64x100000xf32, #tpu.memory_space<hbm>> -> memref<64x384xf32, #tpu.memory_space<hbm>>
        tpu.enqueue_dma source(%arg7 : memref<64x384xf32, #tpu.memory_space<vmem>>) target(%dma_start3A_235 : memref<64x384xf32, #tpu.memory_space<hbm>>) target_semaphore(%arg15 : memref<!tpu.dma_semaphore, #tpu.memory_space<semaphore_mem>>)
      } else {
      }
      %eq3A_228 = arith.constant 260 : i32
      %eq3A_229 = arith.cmpi eq, %add3A_220, %eq3A_228 : i32
      %convert_element_type3A_230 = arith.extui %eq3A_229 : i1 to i32
      %cond3A_231 = arith.constant 0 : i32
      %cond3A_232 = arith.cmpi ne, %convert_element_type3A_230, %cond3A_231 : i32
      scf.if %cond3A_232 {
        %dma_start3A = arith.constant 0 : i32
        %dma_start3A_233 = arith.constant 0 : i32
        %dma_start3A_234 = tpu.memref_slice %arg7[%dma_start3A, %dma_start3A_233] : memref<64x384xf32, #tpu.memory_space<vmem>> -> memref<64x128xf32, #tpu.memory_space<vmem>>
        %dma_start3A_235 = arith.constant 0 : i32
        %dma_start3A_236 = arith.constant 99840 : i32
        %dma_start3A_237 = tpu.memref_slice %arg5[%dma_start3A_235, %dma_start3A_236] : memref<64x100000xf32, #tpu.memory_space<hbm>> -> memref<64x128xf32, #tpu.memory_space<hbm>>
        %dma_start3A_238 = arith.constant 0 : i32
        %dma_start3A_239 = arith.constant 99840 : i32
        %dma_start3A_240 = tpu.memref_slice %arg5[%dma_start3A_238, %dma_start3A_239] : memref<64x100000xf32, #tpu.memory_space<hbm>> -> memref<64x128xf32, #tpu.memory_space<hbm>>
        %dma_start3A_241 = arith.constant 0 : i32
        %dma_start3A_242 = arith.constant 0 : i32
        %dma_start3A_243 = tpu.memref_slice %arg7[%dma_start3A_241, %dma_start3A_242] : memref<64x384xf32, #tpu.memory_space<vmem>> -> memref<64x128xf32, #tpu.memory_space<vmem>>
        tpu.enqueue_dma source(%dma_start3A_243 : memref<64x128xf32, #tpu.memory_space<vmem>>) target(%dma_start3A_240 : memref<64x128xf32, #tpu.memory_space<hbm>>) target_semaphore(%arg15 : memref<!tpu.dma_semaphore, #tpu.memory_space<semaphore_mem>>)
      } else {
      }
    }
    %scan3A_31 = arith.constant 5 : i32
    return
  }
}

module attributes {stable_mosaic.version = 14 : i64} {
  func.func @_stats_body(%arg0: i32, %arg1: memref<1x1x4096xi32, #tpu.memory_space<vmem>>, %arg2: memref<1x1024xi32, #tpu.memory_space<vmem>>, %arg3: memref<64x4096xf32, #tpu.memory_space<vmem>>, %arg4: memref<64x32xf32, #tpu.memory_space<vmem>>, %arg5: memref<64x1024xf32, #tpu.memory_space<vmem>>, %arg6: memref<1x1024xi32, #tpu.memory_space<vmem>>, %arg7: memref<64x32xf32, #tpu.memory_space<vmem>>, %arg8: memref<72x1024xf32, #tpu.memory_space<vmem>>) attributes {dimension_semantics = [#tpu.dimension_semantics<arbitrary>], iteration_bounds = array<i64: 4>, scalar_prefetch = 0 : i64, scratch_operands = 1 : i64, tpu.core_type = #tpu.core_type<tc>, window_params = [{transform_indices = @transform_0, window_bounds = array<i64: 1, 1, 4096>}, {pipeline_mode = #tpu.pipeline_mode<synchronous>, transform_indices = @transform_1, window_bounds = array<i64: 1, 1024>}, {transform_indices = @transform_2, window_bounds = array<i64: 64, 4096>}, {pipeline_mode = #tpu.pipeline_mode<synchronous>, transform_indices = @transform_3, window_bounds = array<i64: 64, 32>}, {pipeline_mode = #tpu.pipeline_mode<synchronous>, transform_indices = @transform_4, window_bounds = array<i64: 64, 1024>}, {pipeline_mode = #tpu.pipeline_mode<synchronous>, transform_indices = @transform_5, window_bounds = array<i64: 1, 1024>}, {pipeline_mode = #tpu.pipeline_mode<synchronous>, transform_indices = @transform_6, window_bounds = array<i64: 64, 32>}]} {
    %eq3A = arith.constant 0 : i32
    %eq3A_0 = arith.cmpi eq, %arg0, %eq3A : i32
    %convert_element_type3A = arith.extui %eq3A_0 : i1 to i32
    %cond3A = arith.constant 0 : i32
    %cond3A_1 = arith.cmpi ne, %convert_element_type3A, %cond3A : i32
    scf.if %cond3A_1 {
      %broadcast_in_dim3A_34 = arith.constant 0.000000e+00 : f32
      %broadcast_in_dim3A_35 = vector.broadcast %broadcast_in_dim3A_34 : f32 to vector<72x1024xf32>
      %swap3A_36 = arith.constant 0 : index
      %swap3A_37 = arith.constant 0 : index
      %swap3A_38 = vector.load %arg8[%swap3A_36, %swap3A_37] : memref<72x1024xf32, #tpu.memory_space<vmem>>, vector<72x1024xf32>
      tpu.vector_store %arg8[%swap3A_36, %swap3A_37], %broadcast_in_dim3A_35 {strides = array<i32>} : memref<72x1024xf32, #tpu.memory_space<vmem>>, vector<72x1024xf32>,
    } else {
    }
    %get3A = arith.constant 0 : index
    %get3A_2 = arith.constant 0 : index
    %get3A_3 = arith.constant 0 : index
    %get3A_4 = vector.load %arg1[%get3A, %get3A_2, %get3A_3] : memref<1x1x4096xi32, #tpu.memory_space<vmem>>, vector<1x1x4096xi32>
    %get3A_5 = vector.shape_cast %get3A_4 : vector<1x1x4096xi32> to vector<4096xi32>
    %get3A_6 = arith.constant 0 : index
    %get3A_7 = arith.constant 0 : index
    %get3A_8 = vector.load %arg2[%get3A_6, %get3A_7] : memref<1x1024xi32, #tpu.memory_space<vmem>>, vector<1x1024xi32>
    %get3A_9 = vector.shape_cast %get3A_8 : vector<1x1024xi32> to vector<1024xi32>
    %broadcast_in_dim3A = vector.shape_cast %get3A_5 : vector<4096xi32> to vector<4096x1xi32>
    %broadcast_in_dim3A_10 = vector.shape_cast %get3A_9 : vector<1024xi32> to vector<1x1024xi32>
    %eq3A_11 = vector.broadcast %broadcast_in_dim3A : vector<4096x1xi32> to vector<4096x1024xi32>
    %eq3A_12 = vector.broadcast %broadcast_in_dim3A_10 : vector<1x1024xi32> to vector<4096x1024xi32>
    %eq3A_13 = arith.cmpi eq, %eq3A_11, %eq3A_12 : vector<4096x1024xi32>
    %convert_element_type3A_14 = arith.extui %eq3A_13 : vector<4096x1024xi1> to vector<4096x1024xi32>
    %convert_element_type3A_15 = arith.sitofp %convert_element_type3A_14 : vector<4096x1024xi32> to vector<4096x1024xf32>
    %convert_element_type3A_16 = arith.truncf %convert_element_type3A_15 : vector<4096x1024xf32> to vector<4096x1024xbf16>
    %get3A_17 = arith.constant 0 : index
    %get3A_18 = arith.constant 0 : index
    %get3A_19 = vector.load %arg3[%get3A_17, %get3A_18] : memref<64x4096xf32, #tpu.memory_space<vmem>>, vector<64x4096xf32>
    %convert_element_type3A_20 = arith.truncf %get3A_19 : vector<64x4096xf32> to vector<64x4096xbf16>
    %broadcast_in_dim3A_21 = arith.constant 1.000000e+00 : bf16
    %broadcast_in_dim3A_22 = vector.broadcast %broadcast_in_dim3A_21 : bf16 to vector<8x4096xbf16>
    %concatenate3A = tpu.concatenate %convert_element_type3A_20, %broadcast_in_dim3A_22 in 0 : vector<64x4096xbf16>, vector<8x4096xbf16> -> vector<72x4096xbf16>
    %get3A_23 = arith.constant 0 : index
    %get3A_24 = arith.constant 0 : index
    %get3A_25 = vector.load %arg8[%get3A_23, %get3A_24] : memref<72x1024xf32, #tpu.memory_space<vmem>>, vector<72x1024xf32>
    %dot_general3A = arith.constant dense<0.000000e+00> : vector<72x1024xf32>
    %dot_general3A_26 = tpu.matmul %concatenate3A, %convert_element_type3A_16, %dot_general3A {dimension_numbers = #tpu.dot_dimension_numbers<[1], [0], [0], [1], [0, 0, 1, 1], [], []>, transpose_lhs_hint = false} : vector<72x4096xbf16>, vector<4096x1024xbf16>, vector<72x1024xf32> -> vector<72x1024xf32>
    %add3A = arith.addf %get3A_25, %dot_general3A_26 : vector<72x1024xf32>
    %swap3A = arith.constant 0 : index
    %swap3A_27 = arith.constant 0 : index
    %swap3A_28 = vector.load %arg8[%swap3A, %swap3A_27] : memref<72x1024xf32, #tpu.memory_space<vmem>>, vector<72x1024xf32>
    tpu.vector_store %arg8[%swap3A, %swap3A_27], %add3A {strides = array<i32>} : memref<72x1024xf32, #tpu.memory_space<vmem>>, vector<72x1024xf32>,
    %eq3A_29 = arith.constant 3 : i32
    %eq3A_30 = arith.cmpi eq, %arg0, %eq3A_29 : i32
    %convert_element_type3A_31 = arith.extui %eq3A_30 : i1 to i32
    %cond3A_32 = arith.constant 0 : i32
    %cond3A_33 = arith.cmpi ne, %convert_element_type3A_31, %cond3A_32 : i32
    scf.if %cond3A_33 {
      %get3A_34 = arith.constant 64 : index
      %get3A_35 = arith.constant 0 : index
      %get3A_36 = vector.load %arg8[%get3A_34, %get3A_35] : memref<72x1024xf32, #tpu.memory_space<vmem>>, vector<1x1024xf32>
      %get3A_37 = arith.constant 0 : index
      %get3A_38 = arith.constant 0 : index
      %get3A_39 = vector.load %arg8[%get3A_37, %get3A_38] : memref<72x1024xf32, #tpu.memory_space<vmem>>, vector<64x1024xf32>
      %max3A = arith.constant 1.000000e+00 : f32
      %max3A_40 = vector.broadcast %max3A : f32 to vector<1x1024xf32>
      %max3A_41 = arith.maximumf %get3A_36, %max3A_40 : vector<1x1024xf32>
      %div3A = vector.broadcast %max3A_41 : vector<1x1024xf32> to vector<64x1024xf32>
      %div3A_42 = arith.divf %get3A_39, %div3A : vector<64x1024xf32>
      %swap3A_43 = arith.constant 0 : index
      %swap3A_44 = arith.constant 0 : index
      %swap3A_45 = vector.load %arg5[%swap3A_43, %swap3A_44] : memref<64x1024xf32, #tpu.memory_space<vmem>>, vector<64x1024xf32>
      tpu.vector_store %arg5[%swap3A_43, %swap3A_44], %div3A_42 {strides = array<i32>} : memref<64x1024xf32, #tpu.memory_space<vmem>>, vector<64x1024xf32>,
      %gt3A = arith.constant 0.000000e+00 : f32
      %gt3A_46 = vector.broadcast %gt3A : f32 to vector<1x1024xf32>
      %gt3A_47 = arith.cmpf ogt, %get3A_36, %gt3A_46 : vector<1x1024xf32>
      %get3A_48 = arith.constant 0 : index
      %get3A_49 = arith.constant 0 : index
      %get3A_50 = vector.load %arg2[%get3A_48, %get3A_49] : memref<1x1024xi32, #tpu.memory_space<vmem>>, vector<1x1024xi32>
      %jit3A = arith.constant -1 : i32
      %broadcast_in_dim3A_51 = vector.broadcast %jit3A : i32 to vector<1x1024xi32>
      %select_n3A = arith.select %gt3A_47, %get3A_50, %broadcast_in_dim3A_51 : vector<1x1024xi1>, vector<1x1024xi32>
      %swap3A_52 = arith.constant 0 : index
      %swap3A_53 = arith.constant 0 : index
      %swap3A_54 = vector.load %arg6[%swap3A_52, %swap3A_53] : memref<1x1024xi32, #tpu.memory_space<vmem>>, vector<1x1024xi32>
      tpu.vector_store %arg6[%swap3A_52, %swap3A_53], %select_n3A {strides = array<i32>} : memref<1x1024xi32, #tpu.memory_space<vmem>>, vector<1x1024xi32>,
      %iota3A = tpu.iota {dimensions = array<i32: 0>} : vector<32x1xi32>
      %add3A_55 = arith.constant 99968 : i32
      %add3A_56 = vector.broadcast %add3A_55 : i32 to vector<32x1xi32>
      %add3A_57 = arith.addi %add3A_56, %iota3A : vector<32x1xi32>
      %broadcast_in_dim3A_58 = vector.shape_cast %get3A_9 : vector<1024xi32> to vector<1x1024xi32>
      %eq3A_59 = vector.broadcast %add3A_57 : vector<32x1xi32> to vector<32x1024xi32>
      %eq3A_60 = vector.broadcast %broadcast_in_dim3A_58 : vector<1x1024xi32> to vector<32x1024xi32>
      %eq3A_61 = arith.cmpi eq, %eq3A_59, %eq3A_60 : vector<32x1024xi32>
      %convert_element_type3A_62 = arith.extui %eq3A_61 : vector<32x1024xi1> to vector<32x1024xi32>
      %convert_element_type3A_63 = arith.sitofp %convert_element_type3A_62 : vector<32x1024xi32> to vector<32x1024xf32>
      %get3A_64 = arith.constant 0 : index
      %get3A_65 = arith.constant 0 : index
      %get3A_66 = vector.load %arg5[%get3A_64, %get3A_65] : memref<64x1024xf32, #tpu.memory_space<vmem>>, vector<64x1024xf32>
      %dot_general3A_67 = arith.constant dense<0.000000e+00> : vector<64x32xf32>
      %dot_general3A_68 = tpu.matmul %get3A_66, %convert_element_type3A_63, %dot_general3A_67 {dimension_numbers = #tpu.dot_dimension_numbers<[1], [1], [0], [0], [0, 0, 1, 0], [], []>, transpose_lhs_hint = false} : vector<64x1024xf32>, vector<32x1024xf32>, vector<64x32xf32> -> vector<64x32xf32>
      %broadcast_in_dim3A_69 = arith.constant 1.000000e+00 : f32
      %broadcast_in_dim3A_70 = vector.broadcast %broadcast_in_dim3A_69 : f32 to vector<1x1024xf32>
      %dot_general3A_71 = arith.constant dense<0.000000e+00> : vector<1x32xf32>
      %dot_general3A_72 = tpu.matmul %broadcast_in_dim3A_70, %convert_element_type3A_63, %dot_general3A_71 {dimension_numbers = #tpu.dot_dimension_numbers<[1], [1], [0], [0], [0, 0, 1, 0], [], []>, transpose_lhs_hint = false} : vector<1x1024xf32>, vector<32x1024xf32>, vector<1x32xf32> -> vector<1x32xf32>
      %dot_general3A_73 = arith.constant dense<0.000000e+00> : vector<1x32xf32>
      %dot_general3A_74 = tpu.matmul %get3A_36, %convert_element_type3A_63, %dot_general3A_73 {dimension_numbers = #tpu.dot_dimension_numbers<[1], [1], [0], [0], [0, 0, 1, 0], [], []>, transpose_lhs_hint = false} : vector<1x1024xf32>, vector<32x1024xf32>, vector<1x32xf32> -> vector<1x32xf32>
      %gt3A_75 = arith.constant 0.000000e+00 : f32
      %gt3A_76 = vector.broadcast %gt3A_75 : f32 to vector<1x32xf32>
      %gt3A_77 = arith.cmpf ogt, %dot_general3A_72, %gt3A_76 : vector<1x32xf32>
      %gt3A_78 = arith.constant 0.000000e+00 : f32
      %gt3A_79 = vector.broadcast %gt3A_78 : f32 to vector<1x32xf32>
      %gt3A_80 = arith.cmpf ogt, %dot_general3A_74, %gt3A_79 : vector<1x32xf32>
      %and3A = arith.andi %gt3A_77, %gt3A_80 : vector<1x32xi1>
      %max3A_81 = arith.constant 1.000000e+00 : f32
      %max3A_82 = vector.broadcast %max3A_81 : f32 to vector<1x32xf32>
      %max3A_83 = arith.maximumf %dot_general3A_72, %max3A_82 : vector<1x32xf32>
      %div3A_84 = vector.broadcast %max3A_83 : vector<1x32xf32> to vector<64x32xf32>
      %div3A_85 = arith.divf %dot_general3A_68, %div3A_84 : vector<64x32xf32>
      %get3A_86 = arith.constant 0 : index
      %get3A_87 = arith.constant 0 : index
      %get3A_88 = vector.load %arg4[%get3A_86, %get3A_87] : memref<64x32xf32, #tpu.memory_space<vmem>>, vector<64x32xf32>
      %broadcast_in_dim3A_89 = vector.shape_cast %and3A : vector<1x32xi1> to vector<1x32xi1>
      %broadcast_in_dim3A_90 = vector.broadcast %broadcast_in_dim3A_89 : vector<1x32xi1> to vector<64x32xi1>
      %select_n3A_91 = arith.select %broadcast_in_dim3A_90, %div3A_85, %get3A_88 : vector<64x32xi1>, vector<64x32xf32>
      %swap3A_92 = arith.constant 0 : index
      %swap3A_93 = arith.constant 0 : index
      %swap3A_94 = vector.load %arg7[%swap3A_92, %swap3A_93] : memref<64x32xf32, #tpu.memory_space<vmem>>, vector<64x32xf32>
      tpu.vector_store %arg7[%swap3A_92, %swap3A_93], %select_n3A_91 {strides = array<i32>} : memref<64x32xf32, #tpu.memory_space<vmem>>, vector<64x32xf32>,
    } else {
    }
    return
  }
  func.func @transform_0(%arg0: i32) -> (i32, i32, i32) {
    %c0_i32 = arith.constant 0 : i32
    %c0_i32_0 = arith.constant 0 : i32
    %c0_i32_1 = arith.constant 0 : i32
    return %arg0, %c0_i32, %c0_i32_0 : i32, i32, i32
  }
  func.func @transform_1(%arg0: i32) -> (i32, i32) {
    %c0_i32 = arith.constant 0 : i32
    %c0_i32_0 = arith.constant 0 : i32
    %c0_i32_1 = arith.constant 0 : i32
    return %c0_i32, %c0_i32_0 : i32, i32
  }
  func.func @transform_2(%arg0: i32) -> (i32, i32) {
    %c0_i32 = arith.constant 0 : i32
    %c0_i32_0 = arith.constant 0 : i32
    return %c0_i32, %arg0 : i32, i32
  }
  func.func @transform_3(%arg0: i32) -> (i32, i32) {
    %c0_i32 = arith.constant 0 : i32
    %c0_i32_0 = arith.constant 0 : i32
    %c0_i32_1 = arith.constant 0 : i32
    return %c0_i32, %c0_i32_0 : i32, i32
  }
  func.func @transform_4(%arg0: i32) -> (i32, i32) {
    %c0_i32 = arith.constant 0 : i32
    %c0_i32_0 = arith.constant 0 : i32
    %c0_i32_1 = arith.constant 0 : i32
    return %c0_i32, %c0_i32_0 : i32, i32
  }
  func.func @transform_5(%arg0: i32) -> (i32, i32) {
    %c0_i32 = arith.constant 0 : i32
    %c0_i32_0 = arith.constant 0 : i32
    %c0_i32_1 = arith.constant 0 : i32
    return %c0_i32, %c0_i32_0 : i32, i32
  }
  func.func @transform_6(%arg0: i32) -> (i32, i32) {
    %c0_i32 = arith.constant 0 : i32
    %c0_i32_0 = arith.constant 0 : i32
    %c0_i32_1 = arith.constant 0 : i32
    return %c0_i32, %c0_i32_0 : i32, i32
  }
}

</mosaic_0001>

<sc_bundles>
// kernel: kernel.4.cloned.1.call-start
scs
__scs_entry_jumppad:
0x0: {  	(pc) =	sbr.rel $0x88, $3  }
0x1: {  	(tag) =	ssettag $0x0;
	lr =	simm.s32 $0x1  }
0x2: {  	[smem:$0x3F9D] =	sst lr;
	_ =	strace $0xD0000000  }
0x3: {  	_ = 	snop  }
0x4: {  	_ = 	snop  }
0x5: {  	_ = 	snop  }
0x6: {  	_ = 	snop  }
0x7: {  	_ = 	snop  }
__scs_overlays_trampoline_lowered:
0x8: {  	[smem:$0x3FAC] =	sst s0  }
0x9: {  	[smem:$0x3FAD] =	sst s1  }
0xa: {  	[smem:$0x3FAE] =	sst s2  }
0xb: {  	[smem:$0x3FAF] =	sst s3  }
0xc: {  	[smem:$0x3FB0] =	sst s4  }
0xd: {  	[smem:$0x3FB1] =	sst s5  }
0xe: {  	[smem:$0x3FB2] =	sst s6  }
0xf: {  	[smem:$0x3FB3] =	sst s7  }
0x10: {  	[smem:$0x3FB4] =	sst s8  }
0x11: {  	[smem:$0x3FB5] =	sst s9;
	s0 =	simm.s32 @!p0 $0x0  }
0x12: {  	s1 =	sld [smem:$0x3F9B];
	s0 =	simm.s32 @p0 $0x1  }
0x13: {  	[smem:$0x3FB6] =	sst s0;
	s0 =	simm.s32 @!p1 $0x0  }
0x14: {  	s2 =	sld [smem:$0x3F9A];
	s0 =	simm.s32 @p1 $0x1  }
0x15: {  	[smem:$0x3FB7] =	sst s0;
	s0 =	simm.s32 @!p2 $0x0  }
0x16: {  	s3 =	sld [smem:$0x3FDB];
	s0 =	simm.s32 @p2 $0x1  }
0x17: {  	s4 =	simm.s32 $0x1BF5;
	[smem:$0x3FB9] =	sst s0  }
0x18: {  	s0 =	sld [smem:$0x3F9C];
	_ =	swait.ge [sflag:s4], $0x0  }
0x19: {  	s7 =	sld [smem:$0x3F9D]  }
0x1a: {  	s8 =	sadd.s32 $0xFFFFE003, lr  }
0x1b: {  	s9 =	sadd.s32 $0xFFFFFEF7, lr;
	s5 =	simm.s32 $0xFFFFFFFF;
	p2 =	slt.u32 s8, $0xFFFFF086  }
0x1c: {  	p1 =	slt.u32 s9, $0xF7A;
	s5 =	simm.s32 @!p2 $0x0  }
0x1d: {  	s5 =	simm.s32 @p1 $0x1;
	p0 =	seq.s32 s7, s2  }
0x1e: {  	s7 =	smul.u32 @!p0 $0xF7A, s2;
	p2 =	seq.s32 @!p0 s5, $0x0  }
0x1f: {  	s9 =	smul.u32 $0xF7A, s1;
	s8 =	simm.s32 @!p0 $0x1BF5;
	p2 =	por !p2, p0  }
0x20: {  	[sflag:s8] =	ssyncset.s32 @!p0 $0xFFFFF086;
	s6 =	sadd.s32 @!p0 s3, s7;
	s7 =	simm.s32 @!p0 $0x108  }
0x21: {  	s3 =	sadd.s32 s3, s9;
	s6 =	sadd.s32 @!p0 $0x88, s6;
	s7 =	simm.s32 @p2 $0x1082  }
0x22: {  	[simem:s7], [sflag:s8] =	dma.local @!p0 [hbm:s6], $0xF7A  }
0x23: {  	s9 =	sor.u32 $0xD0000000, s2;
	s6 =	simm.s32 $0x108;
	_ =	swait.ge @!p0 [sflag:s8], $0x0  }
0x24: {  	s3 =	sadd.s32 $0x88, s3;
	s6 =	simm.s32 @!p1 $0x1082;
	[sflag:s4] =	ssyncset.s32 $0xFFFFF086  }
0x25: {  	[simem:s6], [sflag:s4] =	dma.local [hbm:s3], $0xF7A  }
0x26: {  	[smem:$0x3F9D] =	sst s1;
	(tag) =	ssettag s2;
	_ =	strace s9  }
0x27: {  	s1 =	sld [smem:$0x3FAD]  }
0x28: {  	s2 =	sld [smem:$0x3FAE]  }
0x29: {  	s4 =	sld [smem:$0x3FB0]  }
0x2a: {  	p0 =	seq.s32 s5, $0x0;
	s5 =	sld [smem:$0x3FB1]  }
0x2b: {  	s6 =	sld [smem:$0x3FB2]  }
0x2c: {  	s7 =	sld [smem:$0x3FB3]  }
0x2d: {  	s3 =	simm.s32 $0x108;
	s8 =	sld [smem:$0x3FB4]  }
0x2e: {  	s3 =	simm.s32 @!p0 $0x1082;
	s9 =	sld [smem:$0x3FB5]  }
0x2f: {  	lr =	sadd.s32 s0, s3;
	s0 =	sld [smem:$0x3FAC]  }
0x30: {  	s3 =	sld [smem:$0x3FAF]  }
0x31: {  	[smem:$0x3FB8] =	sst s10  }
0x32: {  	s10 =	sld [smem:$0x3FB6];
	_ =	sdelay $0x3  }
0x33: {  	p0 =	seq.s32 s10, $0x1;
	s10 =	sld [smem:$0x3FB8];
	_ =	sdelay $0x3  }
0x34: {  	[smem:$0x3FB8] =	sst s10  }
0x35: {  	s10 =	sld [smem:$0x3FB7];
	_ =	sdelay $0x3  }
0x36: {  	p1 =	seq.s32 s10, $0x1;
	s10 =	sld [smem:$0x3FB8];
	_ =	sdelay $0x3  }
0x37: {  	[smem:$0x3FB8] =	sst s10  }
0x38: {  	s10 =	sld [smem:$0x3FB9]  }
0x39: {  	_ = 	snop;
	(pc) =	sbr.ind lr, $3  }
0x3a: {  	_ = 	snop  }
0x3b: {  	_ = 	snop  }
0x3c: {  	p2 =	seq.s32 s10, $0x1;
	s10 =	sld [smem:$0x3FB8]  }
0x3d: {  	_ =	shalt  }
0x3e: {  	_ =	shalt  }
0x3f: {  	_ =	shalt  }
0x40: {  	_ =	shalt  }
0x41: {  	_ =	shalt  }
0x42: {  	_ =	shalt  }
0x43: {  	_ =	shalt  }
0x44: {  	_ =	shalt  }
0x45: {  	_ =	shalt  }
0x46: {  	_ =	shalt  }
0x47: {  	_ =	shalt  }
0x48: {  	_ =	shalt  }
0x49: {  	_ =	shalt  }
0x4a: {  	_ =	shalt  }
0x4b: {  	_ =	shalt  }
0x4c: {  	_ =	shalt  }
0x4d: {  	_ =	shalt  }
0x4e: {  	_ =	shalt  }
0x4f: {  	_ =	shalt  }
0x50: {  	_ =	shalt  }
0x51: {  	_ =	shalt  }
0x52: {  	_ =	shalt  }
0x53: {  	_ =	shalt  }
0x54: {  	_ =	shalt  }
0x55: {  	_ =	shalt  }
0x56: {  	_ =	shalt  }
0x57: {  	_ =	shalt  }
0x58: {  	_ =	shalt  }
0x59: {  	_ =	shalt  }
0x5a: {  	_ =	shalt  }
0x5b: {  	_ =	shalt  }
0x5c: {  	_ =	shalt  }
0x5d: {  	_ =	shalt  }
0x5e: {  	_ =	shalt  }
0x5f: {  	_ =	shalt  }
0x60: {  	_ =	shalt  }
0x61: {  	_ =	shalt  }
0x62: {  	_ =	shalt  }
0x63: {  	_ =	shalt  }
0x64: {  	_ =	shalt  }
0x65: {  	_ =	shalt  }
0x66: {  	_ =	shalt  }
0x67: {  	_ =	shalt  }
0x68: {  	_ =	shalt  }
0x69: {  	_ =	shalt  }
0x6a: {  	_ =	shalt  }
0x6b: {  	_ =	shalt  }
0x6c: {  	_ =	shalt  }
0x6d: {  	_ =	shalt  }
0x6e: {  	_ =	shalt  }
0x6f: {  	_ =	shalt  }
0x70: {  	_ =	shalt  }
0x71: {  	_ =	shalt  }
0x72: {  	_ =	shalt  }
0x73: {  	_ =	shalt  }
0x74: {  	_ =	shalt  }
0x75: {  	_ =	shalt  }
0x76: {  	_ =	shalt  }
0x77: {  	_ =	shalt  }
0x78: {  	_ =	shalt  }
0x79: {  	_ =	shalt  }
0x7a: {  	_ =	shalt  }
0x7b: {  	_ =	shalt  }
0x7c: {  	_ =	shalt  }
0x7d: {  	_ =	shalt  }
0x7e: {  	_ =	shalt  }
0x7f: {  	_ =	shalt  }
0x80: {  	_ =	shalt  }
0x81: {  	_ =	shalt  }
0x82: {  	_ =	shalt  }
0x83: {  	_ =	shalt  }
0x84: {  	_ =	shalt  }
0x85: {  	_ =	shalt  }
0x86: {  	_ =	shalt  }
0x87: {  	_ =	shalt  }
.Lfunc_end0:
.L_simem_size_0:
called_computation_lowered:
.L_overlay_start_0:
0x88: {  	s2 =	sld [smem:$0x3FD9]  }
0x89: {  	s3 =	sld [smem:$0x3FFE];
	_ =	sdelay $0x1  }
0x8a: {  	s1 =	srdreg.scid  }
0x8b: {  	s0 =	sand.u32 $0x1, s1  }
0x8c: {  	s17 =	sshll.u32 s0, $0xA;
	s2 =	sadd.s32 s3, s2  }
0x8d: {  	s2 =	sadd.s32 s2, s17  }
0x8e: {  	[smem:$0x3FC4] =	sst s2  }
0x8f: {  	_ = 	snop  }
0x90: {  	s2 =	sld [smem:$0x3FC6]  }
0x91: {  	s18 =	sld [smem:$0x3FD0];
	(tm) =	ssettm $0x1  }
0x92: {  	s4 =	sld [smem:$0x3FFB];
	_ =	sdelay $0x3  }
0x93: {  	_ =	strace s4  }
0x94: {  	s4 =	sld [smem:$0x3FFC];
	_ =	sdelay $0x3  }
0x95: {  	_ =	strace s4  }
0x96: {  	s4 =	sld [smem:$0x3FFD];
	_ =	sdelay $0x3  }
0x97: {  	_ =	strace s4  }
0x98: {  	_ =	strace $0x8FFFFFFF  }
0x99: {  	s19 =	sld [smem:$0x3FDB];
	_ =	sdelay $0x1  }
0x9a: {  	s5 =	simm.s32 $_scs_section_size  }
0x9b: {  	s6 =	simm.s32 $_size__tile_overlayer_lowered;
	s7 =	simm.s32 $_tile_overlayer_lowered  }
0x9c: {  	s22 =	simm.s32 $0x1BFF;
	s21 =	sshll.u32 s7, $0x1;
	s4 =	sadd.s32 s5, s19  }
0x9d: {  	s8 =	simm.s32 $0x0;
	s20 =	sshll.u32 s6, $0x1;
	s6 =	sadd.s32 s21, s4  }
0x9e: {  	[timem:s8], [sflag:s22] =	dma.local [hbm:s6], s20  }
0x9f: {  	_ =	swait.ge [sflag:s22], s20  }
0xa0: {  	s5 =	ssub.s32 $0x0, s20;
	[sflag:s22] =	ssyncset.done $0x0  }
0xa1: {  	[sflag:s22] =	ssyncadd.s32 s5;
	_ =	sdelay $0x1  }
0xa2: {  	s23 =	simm.s32 $0x1B8B  }
0xa3: {  	_ =	swait.ge [sflag:s23], $0x1  }
0xa4: {  	[sflag:s23] =	ssyncset.done $0x0  }
0xa5: {  	s25 =	simm.s32 $0x1B8E;
	s24 =	sld [smem:$0x3FFE];
	[sflag:s23] =	ssyncadd.s32 $0xFFFFFFFF  }
0xa6: {  	s26 =	simm.s32 $execute0_lowered;
	[smem:$0x3FD2] =	sst s25  }
0xa7: {  	s6 =	sshll.u32 s26, $0x1;
	_ =	strace $0x80000046;
	[dreg:$0x1] =	wrdreg $0xFFFFFFFF  }
0xa8: {  	s28 =	simm.s32 $_size_execute0_lowered;
	s4 =	sadd.s32 s4, s6;
	[dreg:$0x0] =	wrdreg $0x0  }
0xa9: {  	s6 =	sshll.u32 s28, $0x1;
	[dreg:$0x2] =	wrdreg s4  }
0xaa: {  	[dreg:$0x3] =	wrdreg s6  }
0xab: {  	[dreg:$0x4] =	wrdreg $0xC0  }
0xac: {  	_ =	task [dreg:s8], $0x5FFFF  }
0xad: {  	[dreg:$0x1] =	wrdreg $0xFFFFFFFF  }
0xae: {  	[dreg:$0x0] =	wrdreg $0x60  }
0xaf: {  	[dreg:$0x2] =	wrdreg s2  }
0xb0: {  	[dreg:$0x3] =	wrdreg s24  }
0xb1: {  	[dreg:$0x4] =	wrdreg s18  }
0xb2: {  	[dreg:$0x5] =	wrdreg $0x1C0000  }
0xb3: {  	[dreg:$0x6] =	wrdreg $0x9  }
0xb4: {  	_ =	task.clear_ibuf [dreg:s8], $0x7FFFF;
	_ =	strace $0x90000046  }
0xb5: {  	s29 =	simm.s32 $0x9;
	_ =	strace $0x80000048  }
0xb6: {  	_ =	swait.ge [sflag:s29], $0x1  }
0xb7: {  	[sflag:s29] =	ssyncadd.s32 $0xFFFFFFFF  }
0xb8: {  	_ =	strace $0x90000048  }
0xb9: {  	_ =	sfence  }
0xba: {  	s30 =	sld [smem:$0x0];
	_ =	sdelay $0x2  }
0xbb: {  	s31 =	sshll.u32 s1, $0xD;
	s1 =	sshrl.u32 s1, $0x2  }
0xbc: {  	s3 =	sand.u32 $0x4000, s31;
	s1 =	sadd.s32 s1, s30  }
0xbd: {  	s0 =	sor.u32 s3, s0;
	s1 =	sshll.u32 s1, $0x11  }
0xbe: {  	s0 =	sor.u32 s1, s0  }
0xbf: {  	s0 =	sadd.s32 $0x8F2B, s0  }
0xc0: {  	[sflag:s0] =	ssyncadd.remote.s32 $0x1  }
0xc1: {  	_ =	sfence.sel $0xFFFF  }
0xc2: {  	[dreg:$0x0] =	wrdreg $0xFFFFFFFF;
	(pc) =	sbr.abs _section_cstart, $3  }
0xc3: {  	[dreg:$0x1] =	wrdreg $0xFFFFFFFF  }
0xc4: {  	_ =	task.clear_ibuf [dreg:s8], $0x2FFFF;
	_ =	strace $0x9FFFFFFF  }
0xc5: {  	(tm) =	ssettm $0x7FFFFFFF  }
tec
execute0_lowered:
.L_overlay_start_1:
0x0: {  	(tag) =	ssettag $0x1  }
0x1: {  	s1 =	rddreg [dreg:$0x0]  }
0x2: {  	s0 =	rddreg [dreg:$0x1]  }
0x3: {  	s3 =	rddreg [dreg:$0x2]  }
0x4: {  	s11 =	rddreg [dreg:$0x3];
	s5 =	simm.s32 $0x0  }
0x5: {  	s7 =	stileid.u32;
	s2 =	srdreg.scid;
	s20 =	simm.s32 $0x5  }
0x6: {  	s21 =	simm.s32 $0x1D400;
	s23 =	simm.s32 $0x6000;
	s24 =	simm.s32 $0x0  }
0x7: {  	[smem:$0x7FF] =	sst s5;
	s2 =	sand.u32 $0x1, s2;
	s4 =	sshll.u32 s7, $0x1  }
0x8: {  	s29 =	sshll.u32 s7, $0xA;
	s31 =	sshll.u32 s7, $0xD;
	s12 =	sadd.s32 $0x18600, s3  }
0x9: {  	s13 =	sadd.s32 $0x18600, s1;
	p0 =	sgt.u32 s7, $0x7;
	_ =	strace $0x80000047  }
0xa: {  	s8 =	ssub.s32 $0x2, s2;
	s6 =	sor.u32 s2, s4;
	s2 =	sadd.s32 s29, s0  }
.Ltmp0:
0xb: {  	s0 =	sadd.s32 $0x3000, s0;
	s9 =	sshrl.u32 s8, $0x1;
	(pc) =	sbr.rel .LBB2_1-.Ltmp0, $4  }
0xc: {  	s10 =	smul.u32 $0x180, s6;
	[dreg:$0x5] =	wrdreg s0;
	s0 =	sshll.u32 @!p0 s7, $0x6  }
0xd: {  	s30 =	ssub.s32 s8, s9;
	s9 =	sadd.s32 $0x1000, s2;
	s2 =	sadd.s32 s31, s11  }
0xe: {  	v1 =	vimm.s32 $0x0;
	v2 =	vimm.s32 $0x1;
	s11 =	sor.u32 $0x40, s6;
	s17 =	sor.u32 @!p0 $0x1C05, s0;
	s8 =	sadd.s32 s1, s10  }
0xf: {  	v3 =	vlaneseq.u32;
	v4 =	vimm.f32 $0.0e+00;
	v0 =	vmov s6;
	s10 =	sor.u32 $0xFFFFFFE0, s4;
	s14 =	smax.u32 s30, $0x1;
	s18 =	sshrl.u32 @!p0 s2, $0x3  }
.LBB2_25:
0x10: {  	s24 =	sadd.s32 $0x1, s24  }
0x11: {  	p1 =	sne.s32 s24, s14  }
.Ltmp1:
0x12: {  	_ = 	snop;
	(pc) =	sbr.rel @!p1 .LBB2_26-.Ltmp1, $1  }
0x13: {  	_ =	sdelay $0x3  }
.LBB2_1:
0x14: {  	s0 =	simm.s32 $0xC00;
	s2 =	simm.s32 $0xC3800  }
0x15: {  	[tilespmem:s5], [sflag:$0x1] =	stream.strided.gather [hbm4b:s8+s0], $0x6000, s2, s0, $0x38;
	[tilespmem:$0x1D480] =	vst v63  }
0x16: {  	s0 =	simm.s32 @!p0 $0x5  }
0x17: {  	[spmem:s18], [sflag:s17] =	dma.local @!p0 [hbm:s9], $0x400  }
0x18: {  	_ =	swait.ge @!p0 [sflag:s0], $0x400  }
0x19: {  	[sflag:s0] =	ssyncset.done @!p0 $0x0  }
0x1a: {  	s31 =	simm.s32 $0x1D000;
	s30 =	rddreg [dreg:$0x5];
	[sflag:s0] =	ssyncadd.s32 @!p0 $0xFFFFFC00  }
0x1b: {  	[tilespmem:s31], [sflag:$0x5] =	stream.linear.gather [hbm4b:s30+s5], $0x400, $0x38;
	[tilespmem:$0x1D480] =	vst v63  }
0x1c: {  	_ =	swait.ge [sflag:s20], $0x400  }
0x1d: {  	[sflag:s20] =	ssyncset.done $0x0  }
0x1e: {  	[sflag:s20] =	ssyncadd.s32 $0xFFFFFC00  }
0x1f: {  	s2 =	simm.s32 $0x0;
	s0 =	simm.s32 $0x40;
	[tilespmem:$0x1D400] =	vst v1  }
.LBB2_2:
0x20: {  	p1 =	sne.s32 s0, $0xFC0;
	v5 =	vld [tilespmem:s2+$0x1D000];
	_ =	sdelay $0x4  }
0x21: {  	v6 =	vshra.s32 v5, $0x7  }
0x22: {  	v6 =	vmul.u32 $0xAAAB, v6;
	_ =	sdelay $0x1  }
0x23: {  	vm0 =	vlt.s32 v5, $0x0;
	v5 =	vshra.s32 v6, $0x11  }
0x24: {  	v5 =	vsel vm0, $0xAAA, v5  }
0x25: {  	v6 =	vand.u32 $0x1F, v5  }
0x26: {  	vm1 =	vlt.s32 v5, $0x105;
	vm0 =	veq.s32 v6, v0  }
0x27: {  	v5 =	vshra.s32 v5, $0x5;
	vm0 =	vmand vm1, vm0  }
0x28: {  	v5 =	vnsel vm0, $0x0, v5  }
.Ltmp2:
0x29: {  	(pc) =	sbr.rel @p1 .LBB2_2-.Ltmp2, $2  }
0x2a: {  	_ =	sdelay $0x2  }
0x2b: {  	s2 =	sshra.s32 s0, $0x2;
	s0 =	sadd.s32 $0x40, s0;
	[tilespmem:v5+s21+$0x0] =	vst.idx.add.s32.msk vm0, v2  }
0x2c: {  	v5 =	vld [tilespmem:s2+$0x1D000];
	_ =	sdelay $0x4  }
0x2d: {  	v6 =	vshra.s32 v5, $0x7  }
0x2e: {  	v6 =	vmul.u32 $0xAAAB, v6;
	_ =	sdelay $0x1  }
0x2f: {  	vm0 =	vlt.s32 v5, $0x0;
	v5 =	vshra.s32 v6, $0x11  }
0x30: {  	v5 =	vsel vm0, $0xAAA, v5  }
0x31: {  	v6 =	vand.u32 $0x1F, v5  }
0x32: {  	vm1 =	vlt.s32 v5, $0x105;
	vm15 =	veq.s32 v6, v0  }
0x33: {  	v5 =	vshra.s32 v5, $0x5;
	vm0 =	vmand vm1, vm15  }
0x34: {  	v5 =	vnsel vm0, $0x0, v5;
	_ =	sdelay $0x4  }
0x35: {  	[tilespmem:v5+s21+$0x0] =	vst.idx.add.s32.msk vm0, v2  }
0x36: {  	v5 =	vld [tilespmem:$0x1D400];
	[bflag:$0x0] =	sbarrier.arrive $0xFFFF  }
.Ltmp3:
0x37: {  	s31 =	simm.s32 $0xC000;
	s0 =	rddreg [dreg:$0x3];
	(pc) =	sbr.rel .LBB2_4-.Ltmp3, $4  }
0x38: {  	[tilespmem:s31], [sflag:$0x5] =	stream.linear.gather [spmem:s0], $0x10000, $0x38;
	[tilespmem:$0x1D480] =	vst v63  }
0x39: {  	_ =	swait.ge [sflag:s20], $0x10000  }
0x3a: {  	[sflag:s20] =	ssyncset.done $0x0  }
0x3b: {  	s25 =	simm.s32 $0x0;
	[sflag:s20] =	ssyncadd.s32 $0xFFFF0000;
	v5 =	vxor.u32 $0x80000000, v5  }
.LBB2_24:
0x3c: {  	s0 =	sadd.s32 @!p1 s3, s26;
	s2 =	simm.s32 @!p1 $0xC00  }
0x3d: {  	s4 =	simm.s32 @!p1 $0xC3800;
	s7 =	simm.s32 @!p1 $0x6000;
	s25 =	sadd.s32 $0x1, s25  }
0x3e: {  	[hbm4b:s0+s2] =	stream.strided.scatter @!p1 [tilespmem:s7], [sflag:$0x4], $0x6000, s4, s2, $0x38;
	[tilespmem:$0x1D480] =	vst v63  }
0x3f: {  	p1 =	sne.s32 s25, $0x5  }
.Ltmp4:
0x40: {  	_ = 	snop;
	(pc) =	sbr.rel @!p1 .LBB2_25-.Ltmp4, $1  }
0x41: {  	_ =	sdelay $0x3  }
.LBB2_4:
0x42: {  	s29 =	sshll.u32 s25, $0x6  }
0x43: {  	s31 =	sor.u32 s6, s29  }
0x44: {  	p2 =	sgt.u32 s31, $0x103  }
0x45: {  	p4 =	sne.s32 @p2 s31, $0x104  }
0x46: {  	p3 =	por p4, !p2  }
0x47: {  	s0 =	simm.s32 @!p3 $0x1  }
0x48: {  	_ =	swait.ge @!p3 [sflag:s0], $0x2000  }
0x49: {  	[sflag:s0] =	ssyncset.done @!p3 $0x0  }
0x4a: {  	[sflag:s0] =	ssyncadd.s32 @!p3 $0xFFFFE000;
	s0 =	simm.s32 @!p2 $0x1  }
0x4b: {  	s2 =	sshll.u32 s25, $0x1;
	s4 =	sadd.s32 s10, s29;
	_ =	swait.ge @!p2 [sflag:s0], $0x6000  }
0x4c: {  	v6 =	vmov s2;
	p5 =	sgt.u32 s4, $0x103;
	[sflag:s0] =	ssyncset.done @!p2 $0x0  }
0x4d: {  	vm0 =	veq.s32 v6, v3;
	[sflag:s0] =	ssyncadd.s32 @!p2 $0xFFFFA000;
	s0 =	simm.s32 @!p5 $0x4  }
0x4e: {  	v6 =	vnsel vm0, $0x80000000, v5;
	_ =	swait.ge @!p5 [sflag:s0], $0x6000  }
0x4f: {  	(xrf0) =	vmax.scan.msk.u32 $0xffff, v6;
	_ =	sdelay $0x5  }
0x50: {  	v6, _, _ =	vpop (xrf0)  }
0x51: {  	(v2sf) =	vpush v6, $0xF;
	_ =	sdelay $0x6  }
0x52: {  	s30 =	sor.u32 $0x1, s2  }
0x53: {  	s2 =	sshll.u32 s30, $0x5  }
0x54: {  	s28 =	sor.u32 s6, s2  }
0x55: {  	p1 =	sgt.u32 s28, $0x103  }
0x56: {  	s26 =	smul.u32 @!p1 $0x180, s28  }
0x57: {  	s2 =	simm.s32 @!p1 $0xC00;
	s4 =	simm.s32 @!p1 $0xC3800;
	[sflag:s0] =	ssyncset.done @!p5 $0x0  }
0x58: {  	s15 =	simm.s32 @!p1 $0x6000;
	[sflag:s0] =	ssyncadd.s32 @!p5 $0xFFFFA000;
	s0 =	sadd.s32 @!p1 s1, s26  }
0x59: {  	[tilespmem:s15], [sflag:$0x2] =	stream.strided.gather @!p1 [hbm4b:s0+s2], $0x6000, s4, s2, $0x38;
	[tilespmem:$0x1D480] =	vst v63  }
0x5a: {  	s0 =	spop (v2sf)  }
0x5b: {  	p5 =	slt.u32 @!p2 s0, $0x80000001  }
0x5c: {  	p5 =	por p2, p5  }
.Ltmp5:
0x5d: {  	_ = 	snop;
	(pc) =	sbr.rel @p5 .LBB2_11-.Ltmp5, $1  }
0x5e: {  	_ =	sdelay $0x3  }
.Ltmp6:
0x5f: {  	(pc) =	sbr.rel .LBB2_6-.Ltmp6, $3  }
0x60: {  	_ = 	snop  }
0x61: {  	s2 =	smul.u32 $0xFFFFFE80, s31;
	_ =	sdelay $0x1  }
0x62: {  	v6 =	vmov s2;
	s2 =	simm.s32 $0x0  }
.LBB2_10:
0x63: {  	s2 =	sadd.s32 $0x1, s2  }
0x64: {  	p5 =	sne.s32 s2, $0x40  }
.Ltmp7:
0x65: {  	_ = 	snop;
	(pc) =	sbr.rel @!p5 .LBB2_11-.Ltmp7, $1  }
0x66: {  	_ =	sdelay $0x3  }
.LBB2_6:
0x67: {  	s15 =	sshll.u32 s2, $0x4  }
0x68: {  	v7 =	vld [tilespmem:s15+$0x1D000];
	_ =	sdelay $0x4  }
0x69: {  	v7 =	vadd.s32 v6, v7  }
0x6a: {  	vm0 =	vlt.u32 v7, $0x180  }
0x6b: {  	v8 =	vsel vm0, $0x3F800000, v4  }
0x6c: {  	(xrf0) =	vmax.scan.msk.f32 $0xffff, v8;
	_ =	sdelay $0x5  }
0x6d: {  	v8, _, _ =	vpop (xrf0)  }
0x6e: {  	(v2sf) =	vpush v8, $0xF;
	_ =	sdelay $0xe  }
0x6f: {  	s4 =	spop (v2sf)  }
0x70: {  	p5 =	sgt.f32 s4, $0.0e+00  }
.Ltmp8:
0x71: {  	_ = 	snop;
	(pc) =	sbr.rel @!p5 .LBB2_10-.Ltmp8, $1  }
0x72: {  	_ =	sdelay $0x3  }
0x73: {  	s4 =	simm.s32 $0x0  }
0x74: {  	s15 =	sand.u32 $0x70, s15;
	v9 =	vmov s4  }
0x75: {  	v10 =	vnsel vm0, $0x0, v7;
	s16 =	sshll.u32 s2, $0x7;
	v7 =	vmov s15;
	v8 =	vshrl.u32 v9, $0x3  }
0x76: {  	s19 =	sand.u32 $0x1C00, s16;
	v11 =	vshll.u32 v10, $0x3;
	v12 =	vmul.u32 $0xC00, v8  }
0x77: {  	s22 =	sand.u32 $0xE000, s4;
	s15 =	sor.u32 $0xC000, s19;
	v9 =	vshll.u32 v9, $0x7;
	v8 =	vand.u32 $0xFFFFFC00, v11  }
0x78: {  	s19 =	sand.u32 $0x380, s4;
	s16 =	sadd.s32 s22, s15;
	v11 =	vadd.s32 v8, v12;
	v12 =	vand.u32 $0x380, v9  }
0x79: {  	s16 =	sadd.s32 s19, s16;
	v9 =	vand.u32 $0x7F, v10;
	v11 =	vor.u32 v12, v11  }
0x7a: {  	s22 =	simm.s32 $0x1;
	v10 =	vld.idx.msk [tilespmem:v7+s16+$0x0 ss:$0x1], $0xffff;
	v11 =	vor.u32 v9, v11  }
0x7b: {  	s19 =	simm.s32 $0x2;
	v12 =	vmov s22;
	s16 =	simm.s32 $0x0  }
.LBB2_8:
0x7c: {  	p5 =	sne.s32 s19, $0x3F;
	v13 =	vshrl.u32 v12, $0x3;
	s4 =	sadd.s32 $0x400, s4  }
0x7d: {  	s16 =	sadd.s32 $0x80, s16;
	s22 =	sand.u32 $0xE000, s4;
	v13 =	vmul.u32 $0xC00, v13  }
.Ltmp9:
0x7e: {  	v12 =	vshll.u32 v12, $0x7;
	s7 =	sand.u32 $0x380, s16;
	s22 =	sadd.s32 s22, s15;
	(pc) =	sbr.rel @p5 .LBB2_8-.Ltmp9, $4  }
0x7f: {  	v12 =	vand.u32 $0x380, v12;
	s7 =	sadd.s32 s7, s22;
	v13 =	vadd.s32 v8, v13;
	[tilespmem:v11+s5+$0x0] =	vst.idx.msk vm0, v10  }
0x80: {  	v10 =	vld.idx.msk [tilespmem:v7+s7+$0x0 ss:$0x1], $0xffff;
	v11 =	vor.u32 v12, v13  }
0x81: {  	v11 =	vor.u32 v9, v11  }
0x82: {  	v12 =	vmov s19;
	s19 =	sadd.s32 $0x1, s19  }
0x83: {  	_ = 	snop  }
0x84: {  	v13 =	vshrl.u32 v12, $0x3  }
0x85: {  	s4 =	sadd.s32 $0x400, s4;
	v13 =	vmul.u32 $0xC00, v13  }
0x86: {  	s7 =	sadd.s32 $0x80, s16;
	v63 =	vshll.u32 v12, $0x7;
	s4 =	sand.u32 $0xE000, s4  }
0x87: {  	s7 =	sand.u32 $0x380, s7;
	v12 =	vand.u32 $0x380, v63;
	s4 =	sadd.s32 s4, s15;
	v8 =	vadd.s32 v8, v13  }
0x88: {  	[tilespmem:v11+s5+$0x0] =	vst.idx.msk vm0, v10;
	s4 =	sadd.s32 s7, s4;
	v8 =	vor.u32 v12, v8  }
0x89: {  	v7 =	vld.idx.msk [tilespmem:v7+s4+$0x0 ss:$0x1], $0xffff;
	v8 =	vor.u32 v9, v8  }
.Ltmp10:
0x8a: {  	_ = 	snop;
	(pc) =	sbr.rel .LBB2_10-.Ltmp10, $2  }
0x8b: {  	_ =	sdelay $0x2  }
0x8c: {  	[tilespmem:v8+s5+$0x0] =	vst.idx.msk vm0, v7  }
.LBB2_11:
0x8d: {  	p5 =	por @p2 $0x0, $0x0;
	p3 =	por @!p3 $0x1, $0x1;
	p4 =	por !p4, !p2  }
0x8e: {  	p3 =	por @!p4 p5, p5;
	p4 =	por @!p2 $0x0, $0x0  }
0x8f: {  	p3 =	por @!p2 p4, p4  }
0x90: {  	p5 =	slt.u32 s0, $0x80000001;
	p6 =	por !p3, !p3  }
0x91: {  	p4 =	por p5, p6  }
.Ltmp11:
0x92: {  	_ = 	snop;
	(pc) =	sbr.rel @!p4 .LBB2_12-.Ltmp11, $2  }
0x93: {  	_ =	sdelay $0x2  }
0x94: {  	s0 =	simm.s32 $0x0  }
.LBB2_17:
0x95: {  	s0 =	smul.u32 @!p2 $0x180, s31  }
0x96: {  	s2 =	simm.s32 @!p2 $0xC00  }
0x97: {  	s4 =	simm.s32 @!p2 $0xC3800;
	s7 =	simm.s32 @!p2 $0x0;
	s0 =	sadd.s32 @!p2 s3, s0  }
0x98: {  	[hbm4b:s0+s2] =	stream.strided.scatter @!p2 [tilespmem:s7], [sflag:$0x3], $0x6000, s4, s2, $0x38;
	[tilespmem:$0x1D480] =	vst v63  }
0x99: {  	s0 =	simm.s32 @p3 $0x0  }
0x9a: {  	[hbm4b:s12+s0] =	stream.linear.scatter @p3 [tilespmem:s0], [sflag:$0x3], $0x400, $0x38;
	[tilespmem:$0x1D480] =	vst v63  }
0x9b: {  	s2 =	sadd.s32 @p3 $0x18700, s12;
	s4 =	simm.s32 @p3 $0xC00  }
0x9c: {  	[hbm4b:s2+s0] =	stream.linear.scatter @p3 [tilespmem:s4], [sflag:$0x3], $0x400, $0x38;
	[tilespmem:$0x1D480] =	vst v63  }
0x9d: {  	s2 =	sadd.s32 @p3 $0x30E00, s12;
	s4 =	simm.s32 @p3 $0x1800  }
0x9e: {  	[hbm4b:s2+s0] =	stream.linear.scatter @p3 [tilespmem:s4], [sflag:$0x3], $0x400, $0x38;
	[tilespmem:$0x1D480] =	vst v63  }
0x9f: {  	s2 =	sadd.s32 @p3 $0x49500, s12;
	s4 =	simm.s32 @p3 $0x2400  }
0xa0: {  	[hbm4b:s2+s0] =	stream.linear.scatter @p3 [tilespmem:s4], [sflag:$0x3], $0x400, $0x38;
	[tilespmem:$0x1D480] =	vst v63  }
0xa1: {  	s2 =	sadd.s32 @p3 $0x61C00, s12;
	s4 =	simm.s32 @p3 $0x3000  }
0xa2: {  	[hbm4b:s2+s0] =	stream.linear.scatter @p3 [tilespmem:s4], [sflag:$0x3], $0x400, $0x38;
	[tilespmem:$0x1D480] =	vst v63  }
0xa3: {  	s2 =	sadd.s32 @p3 $0x7A300, s12;
	s4 =	simm.s32 @p3 $0x3C00  }
0xa4: {  	[hbm4b:s2+s0] =	stream.linear.scatter @p3 [tilespmem:s4], [sflag:$0x3], $0x400, $0x38;
	[tilespmem:$0x1D480] =	vst v63  }
0xa5: {  	s2 =	sadd.s32 @p3 $0x92A00, s12;
	s4 =	simm.s32 @p3 $0x4800  }
0xa6: {  	[hbm4b:s2+s0] =	stream.linear.scatter @p3 [tilespmem:s4], [sflag:$0x3], $0x400, $0x38;
	[tilespmem:$0x1D480] =	vst v63  }
0xa7: {  	s2 =	sadd.s32 @p3 $0xAB100, s12;
	s4 =	simm.s32 @p3 $0x5400  }
0xa8: {  	[hbm4b:s2+s0] =	stream.linear.scatter @p3 [tilespmem:s4], [sflag:$0x3], $0x400, $0x38;
	[tilespmem:$0x1D480] =	vst v63  }
0xa9: {  	s0 =	simm.s32 @!p1 $0x2  }
0xaa: {  	_ =	swait.ge @!p1 [sflag:s0], $0x6000  }
0xab: {  	[sflag:s0] =	ssyncset.done @!p1 $0x0  }
0xac: {  	[sflag:s0] =	ssyncadd.s32 @!p1 $0xFFFFA000;
	s0 =	simm.s32 @!p2 $0x3  }
0xad: {  	_ =	swait.ge @!p2 [sflag:s0], $0x6000  }
0xae: {  	v6 =	vmov s30;
	[sflag:s0] =	ssyncset.done @!p2 $0x0  }
0xaf: {  	vm0 =	veq.s32 v6, v3;
	[sflag:s0] =	ssyncadd.s32 @!p2 $0xFFFFA000;
	s0 =	simm.s32 @p3 $0x3  }
0xb0: {  	v6 =	vnsel vm0, $0x80000000, v5;
	s2 =	sadd.s32 s11, s29;
	_ =	swait.ge @p3 [sflag:s0], $0x2000  }
0xb1: {  	p2 =	sgt.u32 s2, $0x103;
	(xrf0) =	vmax.scan.msk.u32 $0xffff, v6  }
0xb2: {  	p4 =	sne.s32 @p2 s2, $0x104  }
0xb3: {  	[sflag:s0] =	ssyncset.done @p3 $0x0;
	p4 =	por p4, !p2  }
0xb4: {  	[sflag:s0] =	ssyncadd.s32 @p3 $0xFFFFE000;
	s0 =	simm.s32 @!p4 $0x0  }
0xb5: {  	[tilespmem:s0], [sflag:$0x1] =	stream.linear.gather @!p4 [hbm4b:s13+s0], $0x400, $0x38;
	[tilespmem:$0x1D480] =	vst v63  }
0xb6: {  	s4 =	sadd.s32 @!p4 $0x18700, s13;
	s7 =	simm.s32 @!p4 $0xC00  }
0xb7: {  	[tilespmem:s7], [sflag:$0x1] =	stream.linear.gather @!p4 [hbm4b:s4+s0], $0x400, $0x38;
	v6, _, _ =	vpop (xrf0);
	[tilespmem:$0x1D480] =	vst v63  }
0xb8: {  	s4 =	sadd.s32 @!p4 $0x30E00, s13;
	s7 =	simm.s32 @!p4 $0x1800;
	(v2sf) =	vpush v6, $0xF  }
0xb9: {  	[tilespmem:s7], [sflag:$0x1] =	stream.linear.gather @!p4 [hbm4b:s4+s0], $0x400, $0x38;
	[tilespmem:$0x1D480] =	vst v63  }
0xba: {  	s4 =	sadd.s32 @!p4 $0x49500, s13;
	s7 =	simm.s32 @!p4 $0x2400  }
0xbb: {  	[tilespmem:s7], [sflag:$0x1] =	stream.linear.gather @!p4 [hbm4b:s4+s0], $0x400, $0x38;
	[tilespmem:$0x1D480] =	vst v63  }
0xbc: {  	s4 =	sadd.s32 @!p4 $0x61C00, s13;
	s7 =	simm.s32 @!p4 $0x3000  }
0xbd: {  	[tilespmem:s7], [sflag:$0x1] =	stream.linear.gather @!p4 [hbm4b:s4+s0], $0x400, $0x38;
	[tilespmem:$0x1D480] =	vst v63  }
0xbe: {  	s4 =	sadd.s32 @!p4 $0x7A300, s13;
	s7 =	simm.s32 @!p4 $0x3C00  }
0xbf: {  	[tilespmem:s7], [sflag:$0x1] =	stream.linear.gather @!p4 [hbm4b:s4+s0], $0x400, $0x38;
	[tilespmem:$0x1D480] =	vst v63  }
0xc0: {  	s4 =	sadd.s32 @!p4 $0x92A00, s13;
	s7 =	simm.s32 @!p4 $0x4800  }
0xc1: {  	[tilespmem:s7], [sflag:$0x1] =	stream.linear.gather @!p4 [hbm4b:s4+s0], $0x400, $0x38;
	[tilespmem:$0x1D480] =	vst v63  }
0xc2: {  	s2 =	smul.u32 @!p2 $0x180, s2;
	s4 =	sadd.s32 @!p4 $0xAB100, s13;
	s7 =	simm.s32 @!p4 $0x5400  }
0xc3: {  	[tilespmem:s7], [sflag:$0x1] =	stream.linear.gather @!p4 [hbm4b:s4+s0], $0x400, $0x38;
	[tilespmem:$0x1D480] =	vst v63  }
0xc4: {  	s0 =	sadd.s32 @!p2 s1, s2  }
0xc5: {  	s2 =	simm.s32 @!p2 $0xC00;
	s4 =	simm.s32 @!p2 $0xC3800;
	s7 =	simm.s32 @!p2 $0x0  }
0xc6: {  	[tilespmem:s7], [sflag:$0x1] =	stream.strided.gather @!p2 [hbm4b:s0+s2], $0x6000, s4, s2, $0x38;
	[tilespmem:$0x1D480] =	vst v63  }
0xc7: {  	s0 =	spop (v2sf)  }
0xc8: {  	p2 =	slt.u32 @!p1 s0, $0x80000001  }
0xc9: {  	p2 =	por p1, p2  }
.Ltmp12:
0xca: {  	_ = 	snop;
	(pc) =	sbr.rel @p2 .LBB2_24-.Ltmp12, $1  }
0xcb: {  	_ =	sdelay $0x3  }
.Ltmp13:
0xcc: {  	(pc) =	sbr.rel .LBB2_19-.Ltmp13, $3  }
0xcd: {  	_ = 	snop  }
0xce: {  	s0 =	smul.u32 $0xFFFFFE80, s28;
	_ =	sdelay $0x1  }
0xcf: {  	v6 =	vmov s0;
	s0 =	simm.s32 $0x0  }
.LBB2_23:
0xd0: {  	s0 =	sadd.s32 $0x1, s0  }
0xd1: {  	p2 =	sne.s32 s0, $0x40  }
.Ltmp14:
0xd2: {  	_ = 	snop;
	(pc) =	sbr.rel @!p2 .LBB2_24-.Ltmp14, $1  }
0xd3: {  	_ =	sdelay $0x3  }
.LBB2_19:
0xd4: {  	s4 =	sshll.u32 s0, $0x4  }
0xd5: {  	v7 =	vld [tilespmem:s4+$0x1D000];
	_ =	sdelay $0x4  }
0xd6: {  	v7 =	vadd.s32 v6, v7  }
0xd7: {  	vm0 =	vlt.u32 v7, $0x180  }
0xd8: {  	v8 =	vsel vm0, $0x3F800000, v4  }
0xd9: {  	(xrf0) =	vmax.scan.msk.f32 $0xffff, v8;
	_ =	sdelay $0x5  }
0xda: {  	v8, _, _ =	vpop (xrf0)  }
0xdb: {  	(v2sf) =	vpush v8, $0xF;
	_ =	sdelay $0xe  }
0xdc: {  	s2 =	spop (v2sf)  }
0xdd: {  	p2 =	sgt.f32 s2, $0.0e+00  }
.Ltmp15:
0xde: {  	_ = 	snop;
	(pc) =	sbr.rel @!p2 .LBB2_23-.Ltmp15, $1  }
0xdf: {  	_ =	sdelay $0x3  }
0xe0: {  	s2 =	simm.s32 $0x0  }
0xe1: {  	s4 =	sand.u32 $0x70, s4;
	v9 =	vmov s2  }
0xe2: {  	v10 =	vnsel vm0, $0x0, v7;
	s7 =	sshll.u32 s0, $0x7;
	v7 =	vmov s4;
	v8 =	vshrl.u32 v9, $0x3  }
0xe3: {  	s30 =	sand.u32 $0x1C00, s7;
	v11 =	vshll.u32 v10, $0x3;
	v12 =	vmul.u32 $0xC00, v8  }
0xe4: {  	s31 =	sand.u32 $0xE000, s2;
	s4 =	sor.u32 $0xC000, s30;
	v9 =	vshll.u32 v9, $0x7;
	v8 =	vand.u32 $0xFFFFFC00, v11  }
0xe5: {  	s15 =	sand.u32 $0x380, s2;
	s7 =	sadd.s32 s31, s4;
	v11 =	vadd.s32 v8, v12;
	v12 =	vand.u32 $0x380, v9  }
0xe6: {  	s7 =	sadd.s32 s15, s7;
	v9 =	vand.u32 $0x7F, v10;
	v11 =	vor.u32 v12, v11  }
0xe7: {  	s16 =	simm.s32 $0x1;
	v10 =	vld.idx.msk [tilespmem:v7+s7+$0x0 ss:$0x1], $0xffff;
	v11 =	vor.u32 v9, v11  }
0xe8: {  	s15 =	simm.s32 $0x0;
	v12 =	vmov s16;
	s16 =	simm.s32 $0x2  }
.LBB2_21:
0xe9: {  	p2 =	sne.s32 s16, $0x3F;
	v13 =	vshrl.u32 v12, $0x3;
	s2 =	sadd.s32 $0x400, s2  }
0xea: {  	s15 =	sadd.s32 $0x80, s15;
	s7 =	sand.u32 $0xE000, s2;
	v13 =	vmul.u32 $0xC00, v13  }
.Ltmp16:
0xeb: {  	v12 =	vshll.u32 v12, $0x7;
	s19 =	sand.u32 $0x380, s15;
	s7 =	sadd.s32 s7, s4;
	(pc) =	sbr.rel @p2 .LBB2_21-.Ltmp16, $4  }
0xec: {  	v12 =	vand.u32 $0x380, v12;
	s7 =	sadd.s32 s19, s7;
	v13 =	vadd.s32 v8, v13;
	[tilespmem:v11+s23+$0x0] =	vst.idx.msk vm0, v10  }
0xed: {  	v10 =	vld.idx.msk [tilespmem:v7+s7+$0x0 ss:$0x1], $0xffff;
	v11 =	vor.u32 v12, v13  }
0xee: {  	v11 =	vor.u32 v9, v11  }
0xef: {  	v12 =	vmov s16;
	s16 =	sadd.s32 $0x1, s16  }
0xf0: {  	_ = 	snop  }
0xf1: {  	v13 =	vshrl.u32 v12, $0x3  }
0xf2: {  	s2 =	sadd.s32 $0x400, s2;
	v13 =	vmul.u32 $0xC00, v13  }
0xf3: {  	s7 =	sadd.s32 $0x80, s15;
	v63 =	vshll.u32 v12, $0x7;
	s2 =	sand.u32 $0xE000, s2  }
0xf4: {  	s7 =	sand.u32 $0x380, s7;
	v12 =	vand.u32 $0x380, v63;
	s2 =	sadd.s32 s2, s4;
	v8 =	vadd.s32 v8, v13  }
0xf5: {  	[tilespmem:v11+s23+$0x0] =	vst.idx.msk vm0, v10;
	s2 =	sadd.s32 s7, s2;
	v8 =	vor.u32 v12, v8  }
0xf6: {  	v7 =	vld.idx.msk [tilespmem:v7+s2+$0x0 ss:$0x1], $0xffff;
	v8 =	vor.u32 v9, v8  }
.Ltmp17:
0xf7: {  	_ = 	snop;
	(pc) =	sbr.rel .LBB2_23-.Ltmp17, $2  }
0xf8: {  	_ =	sdelay $0x2  }
0xf9: {  	[tilespmem:v8+s23+$0x0] =	vst.idx.msk vm0, v7  }
.LBB2_16:
0xfa: {  	s0 =	sadd.s32 $0x1, s0  }
0xfb: {  	p4 =	sne.s32 s0, $0x40  }
.Ltmp18:
0xfc: {  	_ = 	snop;
	(pc) =	sbr.rel @!p4 .LBB2_17-.Ltmp18, $1  }
0xfd: {  	_ =	sdelay $0x3  }
.LBB2_12:
0xfe: {  	s4 =	sshll.u32 s0, $0x4  }
0xff: {  	v6 =	vld [tilespmem:s4+$0x1D000];
	_ =	sdelay $0x4  }
0x100: {  	v7 =	vand.u32 $0xFFFFFF80, v6  }
0x101: {  	vm0 =	veq.s32 v7, $0x18600  }
0x102: {  	v7 =	vsel vm0, $0x3F800000, v4  }
0x103: {  	(xrf0) =	vmax.scan.msk.f32 $0xffff, v7;
	_ =	sdelay $0x5  }
0x104: {  	v7, _, _ =	vpop (xrf0)  }
0x105: {  	(v2sf) =	vpush v7, $0xF;
	_ =	sdelay $0xe  }
0x106: {  	s2 =	spop (v2sf)  }
0x107: {  	p4 =	sgt.f32 s2, $0.0e+00  }
.Ltmp19:
0x108: {  	_ = 	snop;
	(pc) =	sbr.rel @!p4 .LBB2_16-.Ltmp19, $1  }
0x109: {  	_ =	sdelay $0x3  }
0x10a: {  	s2 =	simm.s32 $0x0  }
0x10b: {  	s4 =	sand.u32 $0x70, s4;
	v6 =	vadd.s32 $0xFFFE7A00, v6;
	v8 =	vmov s2  }
0x10c: {  	s7 =	sshll.u32 s0, $0x7;
	v9 =	vnsel vm0, $0x0, v6;
	v6 =	vmov s4;
	v7 =	vshrl.u32 v8, $0x3  }
0x10d: {  	s19 =	sand.u32 $0x1C00, s7;
	v10 =	vshll.u32 v9, $0x3;
	v11 =	vmul.u32 $0xC00, v7  }
0x10e: {  	s22 =	sand.u32 $0xE000, s2;
	s4 =	sor.u32 $0xC000, s19;
	v8 =	vshll.u32 v8, $0x7;
	v7 =	vand.u32 $0xFFFFFC00, v10  }
0x10f: {  	s15 =	sand.u32 $0x380, s2;
	s7 =	sadd.s32 s22, s4;
	v10 =	vadd.s32 v7, v11;
	v11 =	vand.u32 $0x380, v8  }
0x110: {  	s7 =	sadd.s32 s15, s7;
	v8 =	vand.u32 $0x7F, v9;
	v10 =	vor.u32 v11, v10  }
0x111: {  	s16 =	simm.s32 $0x1;
	v9 =	vld.idx.msk [tilespmem:v6+s7+$0x0 ss:$0x1], $0xffff;
	v10 =	vor.u32 v8, v10  }
0x112: {  	s15 =	simm.s32 $0x0;
	v11 =	vmov s16;
	s16 =	simm.s32 $0x2  }
.LBB2_14:
0x113: {  	p4 =	sne.s32 s16, $0x3F;
	v12 =	vshrl.u32 v11, $0x3;
	s2 =	sadd.s32 $0x400, s2  }
0x114: {  	s15 =	sadd.s32 $0x80, s15;
	s7 =	sand.u32 $0xE000, s2;
	v12 =	vmul.u32 $0xC00, v12  }
.Ltmp20:
0x115: {  	v11 =	vshll.u32 v11, $0x7;
	s19 =	sand.u32 $0x380, s15;
	s7 =	sadd.s32 s7, s4;
	(pc) =	sbr.rel @p4 .LBB2_14-.Ltmp20, $4  }
0x116: {  	v11 =	vand.u32 $0x380, v11;
	s7 =	sadd.s32 s19, s7;
	v12 =	vadd.s32 v7, v12;
	[tilespmem:v10+s5+$0x0] =	vst.idx.msk vm0, v9  }
0x117: {  	v9 =	vld.idx.msk [tilespmem:v6+s7+$0x0 ss:$0x1], $0xffff;
	v10 =	vor.u32 v11, v12  }
0x118: {  	v10 =	vor.u32 v8, v10  }
0x119: {  	v11 =	vmov s16;
	s16 =	sadd.s32 $0x1, s16  }
0x11a: {  	_ = 	snop  }
0x11b: {  	v12 =	vshrl.u32 v11, $0x3  }
0x11c: {  	s2 =	sadd.s32 $0x400, s2;
	v12 =	vmul.u32 $0xC00, v12  }
0x11d: {  	s7 =	sadd.s32 $0x80, s15;
	v63 =	vshll.u32 v11, $0x7;
	s2 =	sand.u32 $0xE000, s2  }
0x11e: {  	s7 =	sand.u32 $0x380, s7;
	v11 =	vand.u32 $0x380, v63;
	s2 =	sadd.s32 s2, s4;
	v7 =	vadd.s32 v7, v12  }
0x11f: {  	[tilespmem:v10+s5+$0x0] =	vst.idx.msk vm0, v9;
	s2 =	sadd.s32 s7, s2;
	v7 =	vor.u32 v11, v7  }
0x120: {  	v6 =	vld.idx.msk [tilespmem:v6+s2+$0x0 ss:$0x1], $0xffff;
	v7 =	vor.u32 v8, v7  }
.Ltmp21:
0x121: {  	_ = 	snop;
	(pc) =	sbr.rel .LBB2_16-.Ltmp21, $2  }
0x122: {  	_ =	sdelay $0x2  }
0x123: {  	[tilespmem:v7+s5+$0x0] =	vst.idx.msk vm0, v6  }
.LBB2_26:
0x124: {  	_ =	sfence.sel $0x180000  }
0x125: {  	[bflag:$0x0] =	sbarrier.arrive $0xFFFF  }
0x126: {  	_ =	strace $0x90000047  }
0x127: {  	s0 =	stileid.u32;
	[bflag:$0x2] =	sbarrier.arrive $0xFFFF  }
0x128: {  	p0 =	sne.s32 s0, $0x0;
	s0 =	rddreg [dreg:$0x4]  }
0x129: {  	s0 =	sadd.s32 @!p0 $0x100000, s0  }
0x12a: {  	[sflag:s0] =	ssyncadd.tile.s32 @!p0 $0x1;
	_ =	shalt  }
.Lfunc_end2:
_tile_overlayer_lowered:
.L_overlay_start_2:
0x12b: {  	(tag) =	ssettag $0x2  }
0x12c: {  	s0 =	rddreg [dreg:$0x0];
	s2 =	stileid.u32  }
0x12d: {  	s1 =	rddreg [dreg:$0x1];
	p0 =	sne.s32 s2, $0x0  }
0x12e: {  	s3 =	rddreg [dreg:$0x2];
	[bflag:$0x3] =	sbarrier.arrive $0xFFFF;
	s2 =	simm.s32 @!p0 $0x1C05  }
0x12f: {  	[timem:s3], [sflag:s2] =	dma.local @!p0 [hbm:s0], s1  }
0x130: {  	s0 =	simm.s32 @!p0 $0x5  }
0x131: {  	_ =	swait.ge @!p0 [sflag:s0], s1  }
0x132: {  	s1 =	ssub.s32 @!p0 $0x0, s1;
	[sflag:s0] =	ssyncset.done @!p0 $0x0  }
0x133: {  	[sflag:s0] =	ssyncadd.s32 @!p0 s1  }
0x134: {  	[bflag:$0x3] =	sbarrier.arrive $0xFFFF  }
0x135: {  	_ =	shalt  }

</sc_bundles>
